<compile_context>
chip_gen: v7x
topology: tpu7x:2x2x1
jax: 0.10.2.dev20260603
libtpu: 0.0.44.dev20260713+nightly
codegen_flags: <defaults>
</compile_context>

<pallas_src>
import functools

import jax
import jax.numpy as jnp
from jax import lax
from jax.experimental import pallas as pl
from jax.experimental.pallas import tpu as pltpu
from jax.experimental.pallas import tpu_sc as plsc



_NW = 32
_CHUNK = 100
_NCHUNK = 10
_WBLK = 200


def _sc_gather(ids3, reps, C, S, D):
    ncls = -(-C // _NW)

    mesh = plsc.VectorSubcoreMesh(core_axis_name="c", subcore_axis_name="s")

    nblk = S // _WBLK
    cpb = _WBLK // _CHUNK

    @functools.partial(
        pl.kernel,
        mesh=mesh,
        out_type=jax.ShapeDtypeStruct((C, S, D), jnp.float32),
        scratch_types=[
            pltpu.VMEM((_NCHUNK, _CHUNK), jnp.int32),
            pltpu.VMEM((2, _WBLK, D), jnp.float32),
            pltpu.SemaphoreType.DMA,
            pltpu.SemaphoreType.DMA,
            pltpu.SemaphoreType.DMA,
        ],
    )
    def k(ids_hbm, reps_hbm, out_hbm, idx_v, rows_v, gsem, wsem0, wsem1):
        wid = lax.axis_index("s") * 2 + lax.axis_index("c")
        wsems = (wsem0, wsem1)

        def drain(p):
            pltpu.make_async_copy(
                out_hbm.at[0].at[pl.ds(0, _WBLK)], rows_v.at[p], wsems[p]
            ).wait()

        def cls_body(t, carry):
            c = wid + t * _NW

            @pl.when(c < C)
            def _():
                pltpu.sync_copy(ids_hbm.at[c], idx_v)
                for b in range(nblk):
                    par = b % 2
                    if b >= 2:
                        drain(par)
                    copies = [
                        pltpu.async_copy(
                            reps_hbm.at[idx_v.at[b * cpb + j]],
                            rows_v.at[par].at[pl.ds(j * _CHUNK, _CHUNK)],
                            gsem,
                        )
                        for j in range(cpb)
                    ]
                    for cp in copies:
                        cp.wait()
                    pltpu.async_copy(
                        rows_v.at[par],
                        out_hbm.at[c].at[pl.ds(b * _WBLK, _WBLK)],
                        wsems[par],
                    )
                drain((nblk - 2) % 2)
                drain((nblk - 1) % 2)

            return carry

        lax.fori_loop(0, ncls, cls_body, 0)

    return k(ids3, reps)



_KPAD = 128


_PC = 4


def _tc_body(S, K, g_ref, idsc_ref, out_ref):
    for p in range(_PC):
        _tc_cls(S, K, g_ref, idsc_ref, out_ref, p)


def _tc_cls(S, K, g_ref, idsc_ref, out_ref, p):
    G = g_ref[p]
    csum = jnp.sum(G, axis=0, keepdims=True)
    center = csum / jnp.float32(S)

    sim_row = lax.dot_general(
        center, G, (((1,), (1,)), ((), ())))
    sim_col = lax.transpose(sim_row, (1, 0))

    i_col = lax.broadcasted_iota(jnp.int32, (S, 1), 0)
    j_row = lax.broadcasted_iota(jnp.int32, (1, S), 1)
    jlt = j_row < i_col
    lt = sim_row < sim_col
    eq = sim_row == sim_col
    cnt = jnp.where(lt | (eq & jlt), 1.0, 0.0)
    rank = jnp.sum(cnt, axis=1, keepdims=True)

    r_row = lax.broadcasted_iota(
        jnp.int32, (1, _KPAD), 1).astype(jnp.float32)
    sel = rank == r_row
    ids_col = idsc_ref[p]
    picked = jnp.where(sel, jnp.broadcast_to(ids_col, (S, _KPAD)), 0.0)
    out_ref[p] = jnp.sum(picked, axis=0, keepdims=True).astype(jnp.int32)


def _tc_compute(G3, ids3c, C, S, K):
    body = functools.partial(_tc_body, S, K)
    return pl.pallas_call(
        body,
        grid=(C // _PC,),
        in_specs=[
            pl.BlockSpec((_PC, S, G3.shape[2]), lambda c: (c, 0, 0)),
            pl.BlockSpec((_PC, S, 1), lambda c: (c, 0, 0)),
        ],
        out_specs=pl.BlockSpec((_PC, 1, _KPAD), lambda c: (c, 0, 0)),
        out_shape=jax.ShapeDtypeStruct((C, 1, _KPAD), jnp.int32),
    )(G3, ids3c)



def kernel(ids_per_cls_train, budget, feats, reps, d):
    ids = ids_per_cls_train.astype(jnp.int32)
    C, S = ids.shape
    D = reps.shape[1]
    K = min(100, S)

    G3 = _sc_gather(ids.reshape(C, _NCHUNK, _CHUNK), reps, C, S, D)
    ids3c = ids.astype(jnp.float32).reshape(C, S, 1)
    out = _tc_compute(G3, ids3c, C, S, K)

    return out[:, 0, :K].reshape(-1).astype(ids_per_cls_train.dtype)

# --- scband reference (transcript-rebuilt; emitter-appended) ---
"""Pipeline reference for scband-mf-sampler-14224931684940 (READ-ONLY COPY).

The authoritative reference and input builder live on the scoring server;
editing this copy changes nothing except your own understanding.
"""

import jax, jax.numpy as jnp
import numpy as np


def setup_inputs(seed: int = 0) -> dict:
    key = jax.random.key(seed)
    k1, k2, k3 = jax.random.split(key, 3)
    ids_per_cls_train = jax.random.randint(k1, (100, 1000), 0, 100000, dtype=jnp.int64) if jax.config.jax_enable_x64 else jax.random.randint(k1, (100, 1000), 0, 100000, dtype=jnp.int32)
    feats = jax.random.normal(k2, (100000, 128), dtype=jnp.float32)
    reps = jax.random.normal(k3, (100000, 128), dtype=jnp.float32)
    return {
        'ids_per_cls_train': ids_per_cls_train,
        'budget': 100,
        'feats': feats,
        'reps': reps,
        'd': 128,
    }


def reference(ids_per_cls_train, budget, feats, reps, d):
    # plus=True -> use reps as the representation vectors
    vecs = reps
    # gather per-class vectors: [C, S, D]
    gathered = jnp.take(vecs, ids_per_cls_train, axis=0)
    # class centers: mean over class members -> [C, D]
    centers = gathered.mean(axis=1)
    # similarity of each member to its class center: [C, S]
    sim = jnp.einsum('cd,csd->cs', centers, gathered)
    # ascending sort (torch .sort() default): indices of least-similar first
    rank = jnp.argsort(sim, axis=1)
    k = min(100, ids_per_cls_train.shape[1])
    nearest = rank[:, :k]
    # map back to original node ids and flatten (extend over classes)
    ids_selected = jnp.take_along_axis(ids_per_cls_train, nearest, axis=1).reshape(-1)
    ids_selected = ids_selected + jnp.asarray(budget - budget, dtype=ids_selected.dtype)
    return ids_selected

if __name__ == "__main__":
    import jax
    _d = setup_inputs()
    print(jax.jit(kernel)(*tuple(_d.values())))

</pallas_src>

<mosaic_0001>
#map = affine_map<(d0, d1) -> (0, 0, 0)>
#map1 = affine_map<(d0, d1) -> (0, 0)>
module attributes {stable_mosaic.version = 14 : i64} {
  func.func @k(%arg0: i32, %arg1: i32, %arg2: memref<100x10x100xi32, #tpu.memory_space<hbm>>, %arg3: memref<100000x128xf32, #tpu.memory_space<hbm>>, %arg4: memref<100x1000x128xf32, #tpu.memory_space<hbm>>, %arg5: memref<10x100xi32, #tpu.memory_space<vmem>>, %arg6: memref<2x200x128xf32, #tpu.memory_space<vmem>>, %arg7: memref<!tpu.dma_semaphore, #tpu.memory_space<semaphore_mem>>, %arg8: memref<!tpu.dma_semaphore, #tpu.memory_space<semaphore_mem>>, %arg9: memref<!tpu.dma_semaphore, #tpu.memory_space<semaphore_mem>>) attributes {dimension_semantics = [#tpu.dimension_semantics<core_parallel>, #tpu.dimension_semantics<subcore_parallel>], iteration_bounds = array<i64: 2, 16>, scalar_prefetch = 0 : i64, scratch_operands = 5 : i64, tpu.core_type = #tpu.core_type<sc_vector_subcore>, window_params = [{transform_indices = #map}, {transform_indices = #map1}, {transform_indices = #map}]} {
    %mul3A = arith.constant 2 : i32
    %mul3A_0 = arith.muli %arg1, %mul3A : i32
    %add3A = arith.addi %mul3A_0, %arg0 : i32
    %scan3A = arith.constant 0 : i32
    %scan3A_1 = arith.constant 0 : i32
    %scan3A_2 = arith.constant 4 : i32
    %scan3A_3 = arith.addi %scan3A_1, %scan3A_2 : i32
    %scan3A_4 = arith.constant 1 : i32
    scf.for %scan3A_6 = %scan3A_1 to %scan3A_3 step %scan3A_4  : i32 {
      %mul3A_7 = arith.constant 32 : i32
      %mul3A_8 = arith.muli %scan3A_6, %mul3A_7 : i32
      %add3A_9 = arith.addi %add3A, %mul3A_8 : i32
      %lt3A = arith.constant 100 : i32
      %lt3A_10 = arith.cmpi slt, %add3A_9, %lt3A : i32
      %convert_element_type3A = arith.extui %lt3A_10 : i1 to i32
      %cond3A = arith.constant 0 : i32
      %cond3A_11 = arith.cmpi ne, %convert_element_type3A, %cond3A : i32
      scf.if %cond3A_11 {
        "tpu.region"() ({
          %run_scoped3A = tpu.sem_alloc : memref<!tpu.dma_semaphore, #tpu.memory_space<semaphore_mem>>
          %dma_start3A_545 = arith.constant 0 : i32
          %dma_start3A_546 = arith.constant 0 : i32
          %dma_start3A_547 = tpu.memref_slice %arg2[%add3A_9, %dma_start3A_545, %dma_start3A_546] : memref<100x10x100xi32, #tpu.memory_space<hbm>> -> memref<1x10x100xi32, #tpu.memory_space<hbm>>
          %dma_start3A_548 = tpu.memref_squeeze %dma_start3A_547 : memref<1x10x100xi32, #tpu.memory_space<hbm>> -> memref<10x100xi32, #tpu.memory_space<hbm>>
          %dma_start3A_549 = arith.constant 0 : i32
          %dma_start3A_550 = arith.constant 0 : i32
          %dma_start3A_551 = tpu.memref_slice %arg2[%add3A_9, %dma_start3A_549, %dma_start3A_550] : memref<100x10x100xi32, #tpu.memory_space<hbm>> -> memref<1x10x100xi32, #tpu.memory_space<hbm>>
          %dma_start3A_552 = tpu.memref_squeeze %dma_start3A_551 : memref<1x10x100xi32, #tpu.memory_space<hbm>> -> memref<10x100xi32, #tpu.memory_space<hbm>>
          tpu.enqueue_dma source(%dma_start3A_552 : memref<10x100xi32, #tpu.memory_space<hbm>>) target(%arg5 : memref<10x100xi32, #tpu.memory_space<vmem>>) target_semaphore(%run_scoped3A : memref<!tpu.dma_semaphore, #tpu.memory_space<semaphore_mem>>)
          %dma_wait3A_553 = arith.constant 0 : i32
          %dma_wait3A_554 = arith.constant 0 : i32
          %dma_wait3A_555 = tpu.memref_slice %arg2[%add3A_9, %dma_wait3A_553, %dma_wait3A_554] : memref<100x10x100xi32, #tpu.memory_space<hbm>> -> memref<1x10x100xi32, #tpu.memory_space<hbm>>
          %dma_wait3A_556 = tpu.memref_squeeze %dma_wait3A_555 : memref<1x10x100xi32, #tpu.memory_space<hbm>> -> memref<10x100xi32, #tpu.memory_space<hbm>>
          %dma_wait3A_557 = arith.constant 0 : i32
          %dma_wait3A_558 = arith.constant 0 : i32
          %dma_wait3A_559 = tpu.memref_slice %arg2[%add3A_9, %dma_wait3A_557, %dma_wait3A_558] : memref<100x10x100xi32, #tpu.memory_space<hbm>> -> memref<1x10x100xi32, #tpu.memory_space<hbm>>
          %dma_wait3A_560 = tpu.memref_squeeze %dma_wait3A_559 : memref<1x10x100xi32, #tpu.memory_space<hbm>> -> memref<10x100xi32, #tpu.memory_space<hbm>>
          tpu.wait_dma2 semaphore(%run_scoped3A : memref<!tpu.dma_semaphore, #tpu.memory_space<semaphore_mem>>) src(%dma_wait3A_560 : memref<10x100xi32, #tpu.memory_space<hbm>>) dst(%arg5 : memref<10x100xi32, #tpu.memory_space<vmem>>)
          tpu.yield
        }) : () -> ()
        %dma_start3A = arith.constant 0 : i32
        %dma_start3A_12 = arith.constant 0 : i32
        %dma_start3A_13 = arith.constant 0 : i32
        %dma_start3A_14 = arith.constant 0 : i32
        %dma_start3A_15 = tpu.memref_slice %arg6[%dma_start3A_12, %dma_start3A_13, %dma_start3A_14] : memref<2x200x128xf32, #tpu.memory_space<vmem>> -> memref<1x200x128xf32, #tpu.memory_space<vmem>>
        %dma_start3A_16 = tpu.memref_squeeze %dma_start3A_15 : memref<1x200x128xf32, #tpu.memory_space<vmem>> -> memref<200x128xf32, #tpu.memory_space<vmem>>
        %dma_start3A_17 = arith.constant 0 : i32
        %dma_start3A_18 = arith.constant 0 : i32
        %dma_start3A_19 = tpu.memref_slice %dma_start3A_16[%dma_start3A_17, %dma_start3A_18] : memref<200x128xf32, #tpu.memory_space<vmem>> -> memref<100x128xf32, #tpu.memory_space<vmem>>
        %dma_start3A_20 = arith.constant 0 : i32
        %dma_start3A_21 = tpu.memref_slice %arg5[%dma_start3A, %dma_start3A_20] : memref<10x100xi32, #tpu.memory_space<vmem>> -> memref<1x100xi32, #tpu.memory_space<vmem>>
        %dma_start3A_22 = tpu.memref_squeeze %dma_start3A_21 : memref<1x100xi32, #tpu.memory_space<vmem>> -> memref<100xi32, #tpu.memory_space<vmem>>
        %dma_start3A_23 = arith.constant 0 : i32
        %dma_start3A_24 = arith.constant 0 : i32
        %dma_start3A_25 = tpu.memref_slice %arg3[%dma_start3A_23, %dma_start3A_24] : memref<100000x128xf32, #tpu.memory_space<hbm>> -> memref<100000x128xf32, #tpu.memory_space<hbm>>
        tpu.enqueue_indirect_dma source(%dma_start3A_25 : memref<100000x128xf32, #tpu.memory_space<hbm>>) target(%dma_start3A_19 : memref<100x128xf32, #tpu.memory_space<vmem>>) offsets(%dma_start3A_22 : memref<100xi32, #tpu.memory_space<vmem>>) semaphore(%arg7 : memref<!tpu.dma_semaphore, #tpu.memory_space<semaphore_mem>>)
        %dma_start3A_26 = arith.constant 1 : i32
        %dma_start3A_27 = arith.constant 0 : i32
        %dma_start3A_28 = arith.constant 0 : i32
        %dma_start3A_29 = arith.constant 0 : i32
        %dma_start3A_30 = tpu.memref_slice %arg6[%dma_start3A_27, %dma_start3A_28, %dma_start3A_29] : memref<2x200x128xf32, #tpu.memory_space<vmem>> -> memref<1x200x128xf32, #tpu.memory_space<vmem>>
        %dma_start3A_31 = tpu.memref_squeeze %dma_start3A_30 : memref<1x200x128xf32, #tpu.memory_space<vmem>> -> memref<200x128xf32, #tpu.memory_space<vmem>>
        %dma_start3A_32 = arith.constant 100 : i32
        %dma_start3A_33 = arith.constant 0 : i32
        %dma_start3A_34 = tpu.memref_slice %dma_start3A_31[%dma_start3A_32, %dma_start3A_33] : memref<200x128xf32, #tpu.memory_space<vmem>> -> memref<100x128xf32, #tpu.memory_space<vmem>>
        %dma_start3A_35 = arith.constant 0 : i32
        %dma_start3A_36 = tpu.memref_slice %arg5[%dma_start3A_26, %dma_start3A_35] : memref<10x100xi32, #tpu.memory_space<vmem>> -> memref<1x100xi32, #tpu.memory_space<vmem>>
        %dma_start3A_37 = tpu.memref_squeeze %dma_start3A_36 : memref<1x100xi32, #tpu.memory_space<vmem>> -> memref<100xi32, #tpu.memory_space<vmem>>
        %dma_start3A_38 = arith.constant 0 : i32
        %dma_start3A_39 = arith.constant 0 : i32
        %dma_start3A_40 = tpu.memref_slice %arg3[%dma_start3A_38, %dma_start3A_39] : memref<100000x128xf32, #tpu.memory_space<hbm>> -> memref<100000x128xf32, #tpu.memory_space<hbm>>
        tpu.enqueue_indirect_dma source(%dma_start3A_40 : memref<100000x128xf32, #tpu.memory_space<hbm>>) target(%dma_start3A_34 : memref<100x128xf32, #tpu.memory_space<vmem>>) offsets(%dma_start3A_37 : memref<100xi32, #tpu.memory_space<vmem>>) semaphore(%arg7 : memref<!tpu.dma_semaphore, #tpu.memory_space<semaphore_mem>>)
        %dma_wait3A = arith.constant 0 : i32
        %dma_wait3A_41 = arith.constant 0 : i32
        %dma_wait3A_42 = arith.constant 0 : i32
        %dma_wait3A_43 = arith.constant 0 : i32
        %dma_wait3A_44 = tpu.memref_slice %arg6[%dma_wait3A_41, %dma_wait3A_42, %dma_wait3A_43] : memref<2x200x128xf32, #tpu.memory_space<vmem>> -> memref<1x200x128xf32, #tpu.memory_space<vmem>>
        %dma_wait3A_45 = tpu.memref_squeeze %dma_wait3A_44 : memref<1x200x128xf32, #tpu.memory_space<vmem>> -> memref<200x128xf32, #tpu.memory_space<vmem>>
        %dma_wait3A_46 = arith.constant 0 : i32
        %dma_wait3A_47 = arith.constant 0 : i32
        %dma_wait3A_48 = tpu.memref_slice %dma_wait3A_45[%dma_wait3A_46, %dma_wait3A_47] : memref<200x128xf32, #tpu.memory_space<vmem>> -> memref<100x128xf32, #tpu.memory_space<vmem>>
        %dma_wait3A_49 = arith.constant 0 : i32
        %dma_wait3A_50 = tpu.memref_slice %arg5[%dma_wait3A, %dma_wait3A_49] : memref<10x100xi32, #tpu.memory_space<vmem>> -> memref<1x100xi32, #tpu.memory_space<vmem>>
        %dma_wait3A_51 = tpu.memref_squeeze %dma_wait3A_50 : memref<1x100xi32, #tpu.memory_space<vmem>> -> memref<100xi32, #tpu.memory_space<vmem>>
        %dma_wait3A_52 = arith.constant 0 : i32
        %dma_wait3A_53 = arith.constant 0 : i32
        %dma_wait3A_54 = tpu.memref_slice %arg3[%dma_wait3A_52, %dma_wait3A_53] : memref<100000x128xf32, #tpu.memory_space<hbm>> -> memref<100000x128xf32, #tpu.memory_space<hbm>>
        tpu.wait_indirect_dma semaphore(%arg7 : memref<!tpu.dma_semaphore, #tpu.memory_space<semaphore_mem>>) src(%dma_wait3A_54 : memref<100000x128xf32, #tpu.memory_space<hbm>>) dst(%dma_wait3A_48 : memref<100x128xf32, #tpu.memory_space<vmem>>)
        %dma_wait3A_55 = arith.constant 1 : i32
        %dma_wait3A_56 = arith.constant 0 : i32
        %dma_wait3A_57 = arith.constant 0 : i32
        %dma_wait3A_58 = arith.constant 0 : i32
        %dma_wait3A_59 = tpu.memref_slice %arg6[%dma_wait3A_56, %dma_wait3A_57, %dma_wait3A_58] : memref<2x200x128xf32, #tpu.memory_space<vmem>> -> memref<1x200x128xf32, #tpu.memory_space<vmem>>
        %dma_wait3A_60 = tpu.memref_squeeze %dma_wait3A_59 : memref<1x200x128xf32, #tpu.memory_space<vmem>> -> memref<200x128xf32, #tpu.memory_space<vmem>>
        %dma_wait3A_61 = arith.constant 100 : i32
        %dma_wait3A_62 = arith.constant 0 : i32
        %dma_wait3A_63 = tpu.memref_slice %dma_wait3A_60[%dma_wait3A_61, %dma_wait3A_62] : memref<200x128xf32, #tpu.memory_space<vmem>> -> memref<100x128xf32, #tpu.memory_space<vmem>>
        %dma_wait3A_64 = arith.constant 0 : i32
        %dma_wait3A_65 = tpu.memref_slice %arg5[%dma_wait3A_55, %dma_wait3A_64] : memref<10x100xi32, #tpu.memory_space<vmem>> -> memref<1x100xi32, #tpu.memory_space<vmem>>
        %dma_wait3A_66 = tpu.memref_squeeze %dma_wait3A_65 : memref<1x100xi32, #tpu.memory_space<vmem>> -> memref<100xi32, #tpu.memory_space<vmem>>
        %dma_wait3A_67 = arith.constant 0 : i32
        %dma_wait3A_68 = arith.constant 0 : i32
        %dma_wait3A_69 = tpu.memref_slice %arg3[%dma_wait3A_67, %dma_wait3A_68] : memref<100000x128xf32, #tpu.memory_space<hbm>> -> memref<100000x128xf32, #tpu.memory_space<hbm>>
        tpu.wait_indirect_dma semaphore(%arg7 : memref<!tpu.dma_semaphore, #tpu.memory_space<semaphore_mem>>) src(%dma_wait3A_69 : memref<100000x128xf32, #tpu.memory_space<hbm>>) dst(%dma_wait3A_63 : memref<100x128xf32, #tpu.memory_space<vmem>>)
        %dma_start3A_70 = arith.constant 0 : i32
        %dma_start3A_71 = arith.constant 0 : i32
        %dma_start3A_72 = arith.constant 0 : i32
        %dma_start3A_73 = tpu.memref_slice %arg6[%dma_start3A_70, %dma_start3A_71, %dma_start3A_72] : memref<2x200x128xf32, #tpu.memory_space<vmem>> -> memref<1x200x128xf32, #tpu.memory_space<vmem>>
        %dma_start3A_74 = tpu.memref_squeeze %dma_start3A_73 : memref<1x200x128xf32, #tpu.memory_space<vmem>> -> memref<200x128xf32, #tpu.memory_space<vmem>>
        %dma_start3A_75 = arith.constant 0 : i32
        %dma_start3A_76 = arith.constant 0 : i32
        %dma_start3A_77 = tpu.memref_slice %arg4[%add3A_9, %dma_start3A_75, %dma_start3A_76] : memref<100x1000x128xf32, #tpu.memory_space<hbm>> -> memref<1x1000x128xf32, #tpu.memory_space<hbm>>
        %dma_start3A_78 = tpu.memref_squeeze %dma_start3A_77 : memref<1x1000x128xf32, #tpu.memory_space<hbm>> -> memref<1000x128xf32, #tpu.memory_space<hbm>>
        %dma_start3A_79 = arith.constant 0 : i32
        %dma_start3A_80 = arith.constant 0 : i32
        %dma_start3A_81 = tpu.memref_slice %dma_start3A_78[%dma_start3A_79, %dma_start3A_80] : memref<1000x128xf32, #tpu.memory_space<hbm>> -> memref<200x128xf32, #tpu.memory_space<hbm>>
        %dma_start3A_82 = arith.constant 0 : i32
        %dma_start3A_83 = arith.constant 0 : i32
        %dma_start3A_84 = tpu.memref_slice %arg4[%add3A_9, %dma_start3A_82, %dma_start3A_83] : memref<100x1000x128xf32, #tpu.memory_space<hbm>> -> memref<1x1000x128xf32, #tpu.memory_space<hbm>>
        %dma_start3A_85 = tpu.memref_squeeze %dma_start3A_84 : memref<1x1000x128xf32, #tpu.memory_space<hbm>> -> memref<1000x128xf32, #tpu.memory_space<hbm>>
        %dma_start3A_86 = arith.constant 0 : i32
        %dma_start3A_87 = arith.constant 0 : i32
        %dma_start3A_88 = tpu.memref_slice %dma_start3A_85[%dma_start3A_86, %dma_start3A_87] : memref<1000x128xf32, #tpu.memory_space<hbm>> -> memref<200x128xf32, #tpu.memory_space<hbm>>
        %dma_start3A_89 = arith.constant 0 : i32
        %dma_start3A_90 = arith.constant 0 : i32
        %dma_start3A_91 = tpu.memref_slice %arg6[%dma_start3A_70, %dma_start3A_89, %dma_start3A_90] : memref<2x200x128xf32, #tpu.memory_space<vmem>> -> memref<1x200x128xf32, #tpu.memory_space<vmem>>
        %dma_start3A_92 = tpu.memref_squeeze %dma_start3A_91 : memref<1x200x128xf32, #tpu.memory_space<vmem>> -> memref<200x128xf32, #tpu.memory_space<vmem>>
        tpu.enqueue_dma source(%dma_start3A_92 : memref<200x128xf32, #tpu.memory_space<vmem>>) target(%dma_start3A_88 : memref<200x128xf32, #tpu.memory_space<hbm>>) target_semaphore(%arg8 : memref<!tpu.dma_semaphore, #tpu.memory_space<semaphore_mem>>)
        %dma_start3A_93 = arith.constant 2 : i32
        %dma_start3A_94 = arith.constant 1 : i32
        %dma_start3A_95 = arith.constant 0 : i32
        %dma_start3A_96 = arith.constant 0 : i32
        %dma_start3A_97 = tpu.memref_slice %arg6[%dma_start3A_94, %dma_start3A_95, %dma_start3A_96] : memref<2x200x128xf32, #tpu.memory_space<vmem>> -> memref<1x200x128xf32, #tpu.memory_space<vmem>>
        %dma_start3A_98 = tpu.memref_squeeze %dma_start3A_97 : memref<1x200x128xf32, #tpu.memory_space<vmem>> -> memref<200x128xf32, #tpu.memory_space<vmem>>
        %dma_start3A_99 = arith.constant 0 : i32
        %dma_start3A_100 = arith.constant 0 : i32
        %dma_start3A_101 = tpu.memref_slice %dma_start3A_98[%dma_start3A_99, %dma_start3A_100] : memref<200x128xf32, #tpu.memory_space<vmem>> -> memref<100x128xf32, #tpu.memory_space<vmem>>
        %dma_start3A_102 = arith.constant 0 : i32
        %dma_start3A_103 = tpu.memref_slice %arg5[%dma_start3A_93, %dma_start3A_102] : memref<10x100xi32, #tpu.memory_space<vmem>> -> memref<1x100xi32, #tpu.memory_space<vmem>>
        %dma_start3A_104 = tpu.memref_squeeze %dma_start3A_103 : memref<1x100xi32, #tpu.memory_space<vmem>> -> memref<100xi32, #tpu.memory_space<vmem>>
        %dma_start3A_105 = arith.constant 0 : i32
        %dma_start3A_106 = arith.constant 0 : i32
        %dma_start3A_107 = tpu.memref_slice %arg3[%dma_start3A_105, %dma_start3A_106] : memref<100000x128xf32, #tpu.memory_space<hbm>> -> memref<100000x128xf32, #tpu.memory_space<hbm>>
        tpu.enqueue_indirect_dma source(%dma_start3A_107 : memref<100000x128xf32, #tpu.memory_space<hbm>>) target(%dma_start3A_101 : memref<100x128xf32, #tpu.memory_space<vmem>>) offsets(%dma_start3A_104 : memref<100xi32, #tpu.memory_space<vmem>>) semaphore(%arg7 : memref<!tpu.dma_semaphore, #tpu.memory_space<semaphore_mem>>)
        %dma_start3A_108 = arith.constant 3 : i32
        %dma_start3A_109 = arith.constant 1 : i32
        %dma_start3A_110 = arith.constant 0 : i32
        %dma_start3A_111 = arith.constant 0 : i32
        %dma_start3A_112 = tpu.memref_slice %arg6[%dma_start3A_109, %dma_start3A_110, %dma_start3A_111] : memref<2x200x128xf32, #tpu.memory_space<vmem>> -> memref<1x200x128xf32, #tpu.memory_space<vmem>>
        %dma_start3A_113 = tpu.memref_squeeze %dma_start3A_112 : memref<1x200x128xf32, #tpu.memory_space<vmem>> -> memref<200x128xf32, #tpu.memory_space<vmem>>
        %dma_start3A_114 = arith.constant 100 : i32
        %dma_start3A_115 = arith.constant 0 : i32
        %dma_start3A_116 = tpu.memref_slice %dma_start3A_113[%dma_start3A_114, %dma_start3A_115] : memref<200x128xf32, #tpu.memory_space<vmem>> -> memref<100x128xf32, #tpu.memory_space<vmem>>
        %dma_start3A_117 = arith.constant 0 : i32
        %dma_start3A_118 = tpu.memref_slice %arg5[%dma_start3A_108, %dma_start3A_117] : memref<10x100xi32, #tpu.memory_space<vmem>> -> memref<1x100xi32, #tpu.memory_space<vmem>>
        %dma_start3A_119 = tpu.memref_squeeze %dma_start3A_118 : memref<1x100xi32, #tpu.memory_space<vmem>> -> memref<100xi32, #tpu.memory_space<vmem>>
        %dma_start3A_120 = arith.constant 0 : i32
        %dma_start3A_121 = arith.constant 0 : i32
        %dma_start3A_122 = tpu.memref_slice %arg3[%dma_start3A_120, %dma_start3A_121] : memref<100000x128xf32, #tpu.memory_space<hbm>> -> memref<100000x128xf32, #tpu.memory_space<hbm>>
        tpu.enqueue_indirect_dma source(%dma_start3A_122 : memref<100000x128xf32, #tpu.memory_space<hbm>>) target(%dma_start3A_116 : memref<100x128xf32, #tpu.memory_space<vmem>>) offsets(%dma_start3A_119 : memref<100xi32, #tpu.memory_space<vmem>>) semaphore(%arg7 : memref<!tpu.dma_semaphore, #tpu.memory_space<semaphore_mem>>)
        %dma_wait3A_123 = arith.constant 2 : i32
        %dma_wait3A_124 = arith.constant 1 : i32
        %dma_wait3A_125 = arith.constant 0 : i32
        %dma_wait3A_126 = arith.constant 0 : i32
        %dma_wait3A_127 = tpu.memref_slice %arg6[%dma_wait3A_124, %dma_wait3A_125, %dma_wait3A_126] : memref<2x200x128xf32, #tpu.memory_space<vmem>> -> memref<1x200x128xf32, #tpu.memory_space<vmem>>
        %dma_wait3A_128 = tpu.memref_squeeze %dma_wait3A_127 : memref<1x200x128xf32, #tpu.memory_space<vmem>> -> memref<200x128xf32, #tpu.memory_space<vmem>>
        %dma_wait3A_129 = arith.constant 0 : i32
        %dma_wait3A_130 = arith.constant 0 : i32
        %dma_wait3A_131 = tpu.memref_slice %dma_wait3A_128[%dma_wait3A_129, %dma_wait3A_130] : memref<200x128xf32, #tpu.memory_space<vmem>> -> memref<100x128xf32, #tpu.memory_space<vmem>>
        %dma_wait3A_132 = arith.constant 0 : i32
        %dma_wait3A_133 = tpu.memref_slice %arg5[%dma_wait3A_123, %dma_wait3A_132] : memref<10x100xi32, #tpu.memory_space<vmem>> -> memref<1x100xi32, #tpu.memory_space<vmem>>
        %dma_wait3A_134 = tpu.memref_squeeze %dma_wait3A_133 : memref<1x100xi32, #tpu.memory_space<vmem>> -> memref<100xi32, #tpu.memory_space<vmem>>
        %dma_wait3A_135 = arith.constant 0 : i32
        %dma_wait3A_136 = arith.constant 0 : i32
        %dma_wait3A_137 = tpu.memref_slice %arg3[%dma_wait3A_135, %dma_wait3A_136] : memref<100000x128xf32, #tpu.memory_space<hbm>> -> memref<100000x128xf32, #tpu.memory_space<hbm>>
        tpu.wait_indirect_dma semaphore(%arg7 : memref<!tpu.dma_semaphore, #tpu.memory_space<semaphore_mem>>) src(%dma_wait3A_137 : memref<100000x128xf32, #tpu.memory_space<hbm>>) dst(%dma_wait3A_131 : memref<100x128xf32, #tpu.memory_space<vmem>>)
        %dma_wait3A_138 = arith.constant 3 : i32
        %dma_wait3A_139 = arith.constant 1 : i32
        %dma_wait3A_140 = arith.constant 0 : i32
        %dma_wait3A_141 = arith.constant 0 : i32
        %dma_wait3A_142 = tpu.memref_slice %arg6[%dma_wait3A_139, %dma_wait3A_140, %dma_wait3A_141] : memref<2x200x128xf32, #tpu.memory_space<vmem>> -> memref<1x200x128xf32, #tpu.memory_space<vmem>>
        %dma_wait3A_143 = tpu.memref_squeeze %dma_wait3A_142 : memref<1x200x128xf32, #tpu.memory_space<vmem>> -> memref<200x128xf32, #tpu.memory_space<vmem>>
        %dma_wait3A_144 = arith.constant 100 : i32
        %dma_wait3A_145 = arith.constant 0 : i32
        %dma_wait3A_146 = tpu.memref_slice %dma_wait3A_143[%dma_wait3A_144, %dma_wait3A_145] : memref<200x128xf32, #tpu.memory_space<vmem>> -> memref<100x128xf32, #tpu.memory_space<vmem>>
        %dma_wait3A_147 = arith.constant 0 : i32
        %dma_wait3A_148 = tpu.memref_slice %arg5[%dma_wait3A_138, %dma_wait3A_147] : memref<10x100xi32, #tpu.memory_space<vmem>> -> memref<1x100xi32, #tpu.memory_space<vmem>>
        %dma_wait3A_149 = tpu.memref_squeeze %dma_wait3A_148 : memref<1x100xi32, #tpu.memory_space<vmem>> -> memref<100xi32, #tpu.memory_space<vmem>>
        %dma_wait3A_150 = arith.constant 0 : i32
        %dma_wait3A_151 = arith.constant 0 : i32
        %dma_wait3A_152 = tpu.memref_slice %arg3[%dma_wait3A_150, %dma_wait3A_151] : memref<100000x128xf32, #tpu.memory_space<hbm>> -> memref<100000x128xf32, #tpu.memory_space<hbm>>
        tpu.wait_indirect_dma semaphore(%arg7 : memref<!tpu.dma_semaphore, #tpu.memory_space<semaphore_mem>>) src(%dma_wait3A_152 : memref<100000x128xf32, #tpu.memory_space<hbm>>) dst(%dma_wait3A_146 : memref<100x128xf32, #tpu.memory_space<vmem>>)
        %dma_start3A_153 = arith.constant 1 : i32
        %dma_start3A_154 = arith.constant 0 : i32
        %dma_start3A_155 = arith.constant 0 : i32
        %dma_start3A_156 = tpu.memref_slice %arg6[%dma_start3A_153, %dma_start3A_154, %dma_start3A_155] : memref<2x200x128xf32, #tpu.memory_space<vmem>> -> memref<1x200x128xf32, #tpu.memory_space<vmem>>
        %dma_start3A_157 = tpu.memref_squeeze %dma_start3A_156 : memref<1x200x128xf32, #tpu.memory_space<vmem>> -> memref<200x128xf32, #tpu.memory_space<vmem>>
        %dma_start3A_158 = arith.constant 0 : i32
        %dma_start3A_159 = arith.constant 0 : i32
        %dma_start3A_160 = tpu.memref_slice %arg4[%add3A_9, %dma_start3A_158, %dma_start3A_159] : memref<100x1000x128xf32, #tpu.memory_space<hbm>> -> memref<1x1000x128xf32, #tpu.memory_space<hbm>>
        %dma_start3A_161 = tpu.memref_squeeze %dma_start3A_160 : memref<1x1000x128xf32, #tpu.memory_space<hbm>> -> memref<1000x128xf32, #tpu.memory_space<hbm>>
        %dma_start3A_162 = arith.constant 200 : i32
        %dma_start3A_163 = arith.constant 0 : i32
        %dma_start3A_164 = tpu.memref_slice %dma_start3A_161[%dma_start3A_162, %dma_start3A_163] : memref<1000x128xf32, #tpu.memory_space<hbm>> -> memref<200x128xf32, #tpu.memory_space<hbm>>
        %dma_start3A_165 = arith.constant 0 : i32
        %dma_start3A_166 = arith.constant 0 : i32
        %dma_start3A_167 = tpu.memref_slice %arg4[%add3A_9, %dma_start3A_165, %dma_start3A_166] : memref<100x1000x128xf32, #tpu.memory_space<hbm>> -> memref<1x1000x128xf32, #tpu.memory_space<hbm>>
        %dma_start3A_168 = tpu.memref_squeeze %dma_start3A_167 : memref<1x1000x128xf32, #tpu.memory_space<hbm>> -> memref<1000x128xf32, #tpu.memory_space<hbm>>
        %dma_start3A_169 = arith.constant 200 : i32
        %dma_start3A_170 = arith.constant 0 : i32
        %dma_start3A_171 = tpu.memref_slice %dma_start3A_168[%dma_start3A_169, %dma_start3A_170] : memref<1000x128xf32, #tpu.memory_space<hbm>> -> memref<200x128xf32, #tpu.memory_space<hbm>>
        %dma_start3A_172 = arith.constant 0 : i32
        %dma_start3A_173 = arith.constant 0 : i32
        %dma_start3A_174 = tpu.memref_slice %arg6[%dma_start3A_153, %dma_start3A_172, %dma_start3A_173] : memref<2x200x128xf32, #tpu.memory_space<vmem>> -> memref<1x200x128xf32, #tpu.memory_space<vmem>>
        %dma_start3A_175 = tpu.memref_squeeze %dma_start3A_174 : memref<1x200x128xf32, #tpu.memory_space<vmem>> -> memref<200x128xf32, #tpu.memory_space<vmem>>
        tpu.enqueue_dma source(%dma_start3A_175 : memref<200x128xf32, #tpu.memory_space<vmem>>) target(%dma_start3A_171 : memref<200x128xf32, #tpu.memory_space<hbm>>) target_semaphore(%arg9 : memref<!tpu.dma_semaphore, #tpu.memory_space<semaphore_mem>>)
        %dma_wait3A_176 = arith.constant 0 : i32
        %dma_wait3A_177 = arith.constant 0 : i32
        %dma_wait3A_178 = arith.constant 0 : i32
        %dma_wait3A_179 = arith.constant 0 : i32
        %dma_wait3A_180 = tpu.memref_slice %arg6[%dma_wait3A_177, %dma_wait3A_178, %dma_wait3A_179] : memref<2x200x128xf32, #tpu.memory_space<vmem>> -> memref<1x200x128xf32, #tpu.memory_space<vmem>>
        %dma_wait3A_181 = tpu.memref_squeeze %dma_wait3A_180 : memref<1x200x128xf32, #tpu.memory_space<vmem>> -> memref<200x128xf32, #tpu.memory_space<vmem>>
        %dma_wait3A_182 = arith.constant 0 : i32
        %dma_wait3A_183 = arith.constant 0 : i32
        %dma_wait3A_184 = tpu.memref_slice %arg4[%dma_wait3A_176, %dma_wait3A_182, %dma_wait3A_183] : memref<100x1000x128xf32, #tpu.memory_space<hbm>> -> memref<1x1000x128xf32, #tpu.memory_space<hbm>>
        %dma_wait3A_185 = tpu.memref_squeeze %dma_wait3A_184 : memref<1x1000x128xf32, #tpu.memory_space<hbm>> -> memref<1000x128xf32, #tpu.memory_space<hbm>>
        %dma_wait3A_186 = arith.constant 0 : i32
        %dma_wait3A_187 = arith.constant 0 : i32
        %dma_wait3A_188 = tpu.memref_slice %dma_wait3A_185[%dma_wait3A_186, %dma_wait3A_187] : memref<1000x128xf32, #tpu.memory_space<hbm>> -> memref<200x128xf32, #tpu.memory_space<hbm>>
        %dma_wait3A_189 = arith.constant 0 : i32
        %dma_wait3A_190 = arith.constant 0 : i32
        %dma_wait3A_191 = tpu.memref_slice %arg6[%dma_wait3A_177, %dma_wait3A_189, %dma_wait3A_190] : memref<2x200x128xf32, #tpu.memory_space<vmem>> -> memref<1x200x128xf32, #tpu.memory_space<vmem>>
        %dma_wait3A_192 = tpu.memref_squeeze %dma_wait3A_191 : memref<1x200x128xf32, #tpu.memory_space<vmem>> -> memref<200x128xf32, #tpu.memory_space<vmem>>
        %dma_wait3A_193 = arith.constant 0 : i32
        %dma_wait3A_194 = arith.constant 0 : i32
        %dma_wait3A_195 = tpu.memref_slice %arg4[%dma_wait3A_176, %dma_wait3A_193, %dma_wait3A_194] : memref<100x1000x128xf32, #tpu.memory_space<hbm>> -> memref<1x1000x128xf32, #tpu.memory_space<hbm>>
        %dma_wait3A_196 = tpu.memref_squeeze %dma_wait3A_195 : memref<1x1000x128xf32, #tpu.memory_space<hbm>> -> memref<1000x128xf32, #tpu.memory_space<hbm>>
        %dma_wait3A_197 = arith.constant 0 : i32
        %dma_wait3A_198 = arith.constant 0 : i32
        %dma_wait3A_199 = tpu.memref_slice %dma_wait3A_196[%dma_wait3A_197, %dma_wait3A_198] : memref<1000x128xf32, #tpu.memory_space<hbm>> -> memref<200x128xf32, #tpu.memory_space<hbm>>
        tpu.wait_dma2 semaphore(%arg8 : memref<!tpu.dma_semaphore, #tpu.memory_space<semaphore_mem>>) src(%dma_wait3A_199 : memref<200x128xf32, #tpu.memory_space<hbm>>) dst(%dma_wait3A_192 : memref<200x128xf32, #tpu.memory_space<vmem>>)
        %dma_start3A_200 = arith.constant 4 : i32
        %dma_start3A_201 = arith.constant 0 : i32
        %dma_start3A_202 = arith.constant 0 : i32
        %dma_start3A_203 = arith.constant 0 : i32
        %dma_start3A_204 = tpu.memref_slice %arg6[%dma_start3A_201, %dma_start3A_202, %dma_start3A_203] : memref<2x200x128xf32, #tpu.memory_space<vmem>> -> memref<1x200x128xf32, #tpu.memory_space<vmem>>
        %dma_start3A_205 = tpu.memref_squeeze %dma_start3A_204 : memref<1x200x128xf32, #tpu.memory_space<vmem>> -> memref<200x128xf32, #tpu.memory_space<vmem>>
        %dma_start3A_206 = arith.constant 0 : i32
        %dma_start3A_207 = arith.constant 0 : i32
        %dma_start3A_208 = tpu.memref_slice %dma_start3A_205[%dma_start3A_206, %dma_start3A_207] : memref<200x128xf32, #tpu.memory_space<vmem>> -> memref<100x128xf32, #tpu.memory_space<vmem>>
        %dma_start3A_209 = arith.constant 0 : i32
        %dma_start3A_210 = tpu.memref_slice %arg5[%dma_start3A_200, %dma_start3A_209] : memref<10x100xi32, #tpu.memory_space<vmem>> -> memref<1x100xi32, #tpu.memory_space<vmem>>
        %dma_start3A_211 = tpu.memref_squeeze %dma_start3A_210 : memref<1x100xi32, #tpu.memory_space<vmem>> -> memref<100xi32, #tpu.memory_space<vmem>>
        %dma_start3A_212 = arith.constant 0 : i32
        %dma_start3A_213 = arith.constant 0 : i32
        %dma_start3A_214 = tpu.memref_slice %arg3[%dma_start3A_212, %dma_start3A_213] : memref<100000x128xf32, #tpu.memory_space<hbm>> -> memref<100000x128xf32, #tpu.memory_space<hbm>>
        tpu.enqueue_indirect_dma source(%dma_start3A_214 : memref<100000x128xf32, #tpu.memory_space<hbm>>) target(%dma_start3A_208 : memref<100x128xf32, #tpu.memory_space<vmem>>) offsets(%dma_start3A_211 : memref<100xi32, #tpu.memory_space<vmem>>) semaphore(%arg7 : memref<!tpu.dma_semaphore, #tpu.memory_space<semaphore_mem>>)
        %dma_start3A_215 = arith.constant 5 : i32
        %dma_start3A_216 = arith.constant 0 : i32
        %dma_start3A_217 = arith.constant 0 : i32
        %dma_start3A_218 = arith.constant 0 : i32
        %dma_start3A_219 = tpu.memref_slice %arg6[%dma_start3A_216, %dma_start3A_217, %dma_start3A_218] : memref<2x200x128xf32, #tpu.memory_space<vmem>> -> memref<1x200x128xf32, #tpu.memory_space<vmem>>
        %dma_start3A_220 = tpu.memref_squeeze %dma_start3A_219 : memref<1x200x128xf32, #tpu.memory_space<vmem>> -> memref<200x128xf32, #tpu.memory_space<vmem>>
        %dma_start3A_221 = arith.constant 100 : i32
        %dma_start3A_222 = arith.constant 0 : i32
        %dma_start3A_223 = tpu.memref_slice %dma_start3A_220[%dma_start3A_221, %dma_start3A_222] : memref<200x128xf32, #tpu.memory_space<vmem>> -> memref<100x128xf32, #tpu.memory_space<vmem>>
        %dma_start3A_224 = arith.constant 0 : i32
        %dma_start3A_225 = tpu.memref_slice %arg5[%dma_start3A_215, %dma_start3A_224] : memref<10x100xi32, #tpu.memory_space<vmem>> -> memref<1x100xi32, #tpu.memory_space<vmem>>
        %dma_start3A_226 = tpu.memref_squeeze %dma_start3A_225 : memref<1x100xi32, #tpu.memory_space<vmem>> -> memref<100xi32, #tpu.memory_space<vmem>>
        %dma_start3A_227 = arith.constant 0 : i32
        %dma_start3A_228 = arith.constant 0 : i32
        %dma_start3A_229 = tpu.memref_slice %arg3[%dma_start3A_227, %dma_start3A_228] : memref<100000x128xf32, #tpu.memory_space<hbm>> -> memref<100000x128xf32, #tpu.memory_space<hbm>>
        tpu.enqueue_indirect_dma source(%dma_start3A_229 : memref<100000x128xf32, #tpu.memory_space<hbm>>) target(%dma_start3A_223 : memref<100x128xf32, #tpu.memory_space<vmem>>) offsets(%dma_start3A_226 : memref<100xi32, #tpu.memory_space<vmem>>) semaphore(%arg7 : memref<!tpu.dma_semaphore, #tpu.memory_space<semaphore_mem>>)
        %dma_wait3A_230 = arith.constant 4 : i32
        %dma_wait3A_231 = arith.constant 0 : i32
        %dma_wait3A_232 = arith.constant 0 : i32
        %dma_wait3A_233 = arith.constant 0 : i32
        %dma_wait3A_234 = tpu.memref_slice %arg6[%dma_wait3A_231, %dma_wait3A_232, %dma_wait3A_233] : memref<2x200x128xf32, #tpu.memory_space<vmem>> -> memref<1x200x128xf32, #tpu.memory_space<vmem>>
        %dma_wait3A_235 = tpu.memref_squeeze %dma_wait3A_234 : memref<1x200x128xf32, #tpu.memory_space<vmem>> -> memref<200x128xf32, #tpu.memory_space<vmem>>
        %dma_wait3A_236 = arith.constant 0 : i32
        %dma_wait3A_237 = arith.constant 0 : i32
        %dma_wait3A_238 = tpu.memref_slice %dma_wait3A_235[%dma_wait3A_236, %dma_wait3A_237] : memref<200x128xf32, #tpu.memory_space<vmem>> -> memref<100x128xf32, #tpu.memory_space<vmem>>
        %dma_wait3A_239 = arith.constant 0 : i32
        %dma_wait3A_240 = tpu.memref_slice %arg5[%dma_wait3A_230, %dma_wait3A_239] : memref<10x100xi32, #tpu.memory_space<vmem>> -> memref<1x100xi32, #tpu.memory_space<vmem>>
        %dma_wait3A_241 = tpu.memref_squeeze %dma_wait3A_240 : memref<1x100xi32, #tpu.memory_space<vmem>> -> memref<100xi32, #tpu.memory_space<vmem>>
        %dma_wait3A_242 = arith.constant 0 : i32
        %dma_wait3A_243 = arith.constant 0 : i32
        %dma_wait3A_244 = tpu.memref_slice %arg3[%dma_wait3A_242, %dma_wait3A_243] : memref<100000x128xf32, #tpu.memory_space<hbm>> -> memref<100000x128xf32, #tpu.memory_space<hbm>>
        tpu.wait_indirect_dma semaphore(%arg7 : memref<!tpu.dma_semaphore, #tpu.memory_space<semaphore_mem>>) src(%dma_wait3A_244 : memref<100000x128xf32, #tpu.memory_space<hbm>>) dst(%dma_wait3A_238 : memref<100x128xf32, #tpu.memory_space<vmem>>)
        %dma_wait3A_245 = arith.constant 5 : i32
        %dma_wait3A_246 = arith.constant 0 : i32
        %dma_wait3A_247 = arith.constant 0 : i32
        %dma_wait3A_248 = arith.constant 0 : i32
        %dma_wait3A_249 = tpu.memref_slice %arg6[%dma_wait3A_246, %dma_wait3A_247, %dma_wait3A_248] : memref<2x200x128xf32, #tpu.memory_space<vmem>> -> memref<1x200x128xf32, #tpu.memory_space<vmem>>
        %dma_wait3A_250 = tpu.memref_squeeze %dma_wait3A_249 : memref<1x200x128xf32, #tpu.memory_space<vmem>> -> memref<200x128xf32, #tpu.memory_space<vmem>>
        %dma_wait3A_251 = arith.constant 100 : i32
        %dma_wait3A_252 = arith.constant 0 : i32
        %dma_wait3A_253 = tpu.memref_slice %dma_wait3A_250[%dma_wait3A_251, %dma_wait3A_252] : memref<200x128xf32, #tpu.memory_space<vmem>> -> memref<100x128xf32, #tpu.memory_space<vmem>>
        %dma_wait3A_254 = arith.constant 0 : i32
        %dma_wait3A_255 = tpu.memref_slice %arg5[%dma_wait3A_245, %dma_wait3A_254] : memref<10x100xi32, #tpu.memory_space<vmem>> -> memref<1x100xi32, #tpu.memory_space<vmem>>
        %dma_wait3A_256 = tpu.memref_squeeze %dma_wait3A_255 : memref<1x100xi32, #tpu.memory_space<vmem>> -> memref<100xi32, #tpu.memory_space<vmem>>
        %dma_wait3A_257 = arith.constant 0 : i32
        %dma_wait3A_258 = arith.constant 0 : i32
        %dma_wait3A_259 = tpu.memref_slice %arg3[%dma_wait3A_257, %dma_wait3A_258] : memref<100000x128xf32, #tpu.memory_space<hbm>> -> memref<100000x128xf32, #tpu.memory_space<hbm>>
        tpu.wait_indirect_dma semaphore(%arg7 : memref<!tpu.dma_semaphore, #tpu.memory_space<semaphore_mem>>) src(%dma_wait3A_259 : memref<100000x128xf32, #tpu.memory_space<hbm>>) dst(%dma_wait3A_253 : memref<100x128xf32, #tpu.memory_space<vmem>>)
        %dma_start3A_260 = arith.constant 0 : i32
        %dma_start3A_261 = arith.constant 0 : i32
        %dma_start3A_262 = arith.constant 0 : i32
        %dma_start3A_263 = tpu.memref_slice %arg6[%dma_start3A_260, %dma_start3A_261, %dma_start3A_262] : memref<2x200x128xf32, #tpu.memory_space<vmem>> -> memref<1x200x128xf32, #tpu.memory_space<vmem>>
        %dma_start3A_264 = tpu.memref_squeeze %dma_start3A_263 : memref<1x200x128xf32, #tpu.memory_space<vmem>> -> memref<200x128xf32, #tpu.memory_space<vmem>>
        %dma_start3A_265 = arith.constant 0 : i32
        %dma_start3A_266 = arith.constant 0 : i32
        %dma_start3A_267 = tpu.memref_slice %arg4[%add3A_9, %dma_start3A_265, %dma_start3A_266] : memref<100x1000x128xf32, #tpu.memory_space<hbm>> -> memref<1x1000x128xf32, #tpu.memory_space<hbm>>
        %dma_start3A_268 = tpu.memref_squeeze %dma_start3A_267 : memref<1x1000x128xf32, #tpu.memory_space<hbm>> -> memref<1000x128xf32, #tpu.memory_space<hbm>>
        %dma_start3A_269 = arith.constant 400 : i32
        %dma_start3A_270 = arith.constant 0 : i32
        %dma_start3A_271 = tpu.memref_slice %dma_start3A_268[%dma_start3A_269, %dma_start3A_270] : memref<1000x128xf32, #tpu.memory_space<hbm>> -> memref<200x128xf32, #tpu.memory_space<hbm>>
        %dma_start3A_272 = arith.constant 0 : i32
        %dma_start3A_273 = arith.constant 0 : i32
        %dma_start3A_274 = tpu.memref_slice %arg4[%add3A_9, %dma_start3A_272, %dma_start3A_273] : memref<100x1000x128xf32, #tpu.memory_space<hbm>> -> memref<1x1000x128xf32, #tpu.memory_space<hbm>>
        %dma_start3A_275 = tpu.memref_squeeze %dma_start3A_274 : memref<1x1000x128xf32, #tpu.memory_space<hbm>> -> memref<1000x128xf32, #tpu.memory_space<hbm>>
        %dma_start3A_276 = arith.constant 400 : i32
        %dma_start3A_277 = arith.constant 0 : i32
        %dma_start3A_278 = tpu.memref_slice %dma_start3A_275[%dma_start3A_276, %dma_start3A_277] : memref<1000x128xf32, #tpu.memory_space<hbm>> -> memref<200x128xf32, #tpu.memory_space<hbm>>
        %dma_start3A_279 = arith.constant 0 : i32
        %dma_start3A_280 = arith.constant 0 : i32
        %dma_start3A_281 = tpu.memref_slice %arg6[%dma_start3A_260, %dma_start3A_279, %dma_start3A_280] : memref<2x200x128xf32, #tpu.memory_space<vmem>> -> memref<1x200x128xf32, #tpu.memory_space<vmem>>
        %dma_start3A_282 = tpu.memref_squeeze %dma_start3A_281 : memref<1x200x128xf32, #tpu.memory_space<vmem>> -> memref<200x128xf32, #tpu.memory_space<vmem>>
        tpu.enqueue_dma source(%dma_start3A_282 : memref<200x128xf32, #tpu.memory_space<vmem>>) target(%dma_start3A_278 : memref<200x128xf32, #tpu.memory_space<hbm>>) target_semaphore(%arg8 : memref<!tpu.dma_semaphore, #tpu.memory_space<semaphore_mem>>)
        %dma_wait3A_283 = arith.constant 0 : i32
        %dma_wait3A_284 = arith.constant 1 : i32
        %dma_wait3A_285 = arith.constant 0 : i32
        %dma_wait3A_286 = arith.constant 0 : i32
        %dma_wait3A_287 = tpu.memref_slice %arg6[%dma_wait3A_284, %dma_wait3A_285, %dma_wait3A_286] : memref<2x200x128xf32, #tpu.memory_space<vmem>> -> memref<1x200x128xf32, #tpu.memory_space<vmem>>
        %dma_wait3A_288 = tpu.memref_squeeze %dma_wait3A_287 : memref<1x200x128xf32, #tpu.memory_space<vmem>> -> memref<200x128xf32, #tpu.memory_space<vmem>>
        %dma_wait3A_289 = arith.constant 0 : i32
        %dma_wait3A_290 = arith.constant 0 : i32
        %dma_wait3A_291 = tpu.memref_slice %arg4[%dma_wait3A_283, %dma_wait3A_289, %dma_wait3A_290] : memref<100x1000x128xf32, #tpu.memory_space<hbm>> -> memref<1x1000x128xf32, #tpu.memory_space<hbm>>
        %dma_wait3A_292 = tpu.memref_squeeze %dma_wait3A_291 : memref<1x1000x128xf32, #tpu.memory_space<hbm>> -> memref<1000x128xf32, #tpu.memory_space<hbm>>
        %dma_wait3A_293 = arith.constant 0 : i32
        %dma_wait3A_294 = arith.constant 0 : i32
        %dma_wait3A_295 = tpu.memref_slice %dma_wait3A_292[%dma_wait3A_293, %dma_wait3A_294] : memref<1000x128xf32, #tpu.memory_space<hbm>> -> memref<200x128xf32, #tpu.memory_space<hbm>>
        %dma_wait3A_296 = arith.constant 0 : i32
        %dma_wait3A_297 = arith.constant 0 : i32
        %dma_wait3A_298 = tpu.memref_slice %arg6[%dma_wait3A_284, %dma_wait3A_296, %dma_wait3A_297] : memref<2x200x128xf32, #tpu.memory_space<vmem>> -> memref<1x200x128xf32, #tpu.memory_space<vmem>>
        %dma_wait3A_299 = tpu.memref_squeeze %dma_wait3A_298 : memref<1x200x128xf32, #tpu.memory_space<vmem>> -> memref<200x128xf32, #tpu.memory_space<vmem>>
        %dma_wait3A_300 = arith.constant 0 : i32
        %dma_wait3A_301 = arith.constant 0 : i32
        %dma_wait3A_302 = tpu.memref_slice %arg4[%dma_wait3A_283, %dma_wait3A_300, %dma_wait3A_301] : memref<100x1000x128xf32, #tpu.memory_space<hbm>> -> memref<1x1000x128xf32, #tpu.memory_space<hbm>>
        %dma_wait3A_303 = tpu.memref_squeeze %dma_wait3A_302 : memref<1x1000x128xf32, #tpu.memory_space<hbm>> -> memref<1000x128xf32, #tpu.memory_space<hbm>>
        %dma_wait3A_304 = arith.constant 0 : i32
        %dma_wait3A_305 = arith.constant 0 : i32
        %dma_wait3A_306 = tpu.memref_slice %dma_wait3A_303[%dma_wait3A_304, %dma_wait3A_305] : memref<1000x128xf32, #tpu.memory_space<hbm>> -> memref<200x128xf32, #tpu.memory_space<hbm>>
        tpu.wait_dma2 semaphore(%arg9 : memref<!tpu.dma_semaphore, #tpu.memory_space<semaphore_mem>>) src(%dma_wait3A_306 : memref<200x128xf32, #tpu.memory_space<hbm>>) dst(%dma_wait3A_299 : memref<200x128xf32, #tpu.memory_space<vmem>>)
        %dma_start3A_307 = arith.constant 6 : i32
        %dma_start3A_308 = arith.constant 1 : i32
        %dma_start3A_309 = arith.constant 0 : i32
        %dma_start3A_310 = arith.constant 0 : i32
        %dma_start3A_311 = tpu.memref_slice %arg6[%dma_start3A_308, %dma_start3A_309, %dma_start3A_310] : memref<2x200x128xf32, #tpu.memory_space<vmem>> -> memref<1x200x128xf32, #tpu.memory_space<vmem>>
        %dma_start3A_312 = tpu.memref_squeeze %dma_start3A_311 : memref<1x200x128xf32, #tpu.memory_space<vmem>> -> memref<200x128xf32, #tpu.memory_space<vmem>>
        %dma_start3A_313 = arith.constant 0 : i32
        %dma_start3A_314 = arith.constant 0 : i32
        %dma_start3A_315 = tpu.memref_slice %dma_start3A_312[%dma_start3A_313, %dma_start3A_314] : memref<200x128xf32, #tpu.memory_space<vmem>> -> memref<100x128xf32, #tpu.memory_space<vmem>>
        %dma_start3A_316 = arith.constant 0 : i32
        %dma_start3A_317 = tpu.memref_slice %arg5[%dma_start3A_307, %dma_start3A_316] : memref<10x100xi32, #tpu.memory_space<vmem>> -> memref<1x100xi32, #tpu.memory_space<vmem>>
        %dma_start3A_318 = tpu.memref_squeeze %dma_start3A_317 : memref<1x100xi32, #tpu.memory_space<vmem>> -> memref<100xi32, #tpu.memory_space<vmem>>
        %dma_start3A_319 = arith.constant 0 : i32
        %dma_start3A_320 = arith.constant 0 : i32
        %dma_start3A_321 = tpu.memref_slice %arg3[%dma_start3A_319, %dma_start3A_320] : memref<100000x128xf32, #tpu.memory_space<hbm>> -> memref<100000x128xf32, #tpu.memory_space<hbm>>
        tpu.enqueue_indirect_dma source(%dma_start3A_321 : memref<100000x128xf32, #tpu.memory_space<hbm>>) target(%dma_start3A_315 : memref<100x128xf32, #tpu.memory_space<vmem>>) offsets(%dma_start3A_318 : memref<100xi32, #tpu.memory_space<vmem>>) semaphore(%arg7 : memref<!tpu.dma_semaphore, #tpu.memory_space<semaphore_mem>>)
        %dma_start3A_322 = arith.constant 7 : i32
        %dma_start3A_323 = arith.constant 1 : i32
        %dma_start3A_324 = arith.constant 0 : i32
        %dma_start3A_325 = arith.constant 0 : i32
        %dma_start3A_326 = tpu.memref_slice %arg6[%dma_start3A_323, %dma_start3A_324, %dma_start3A_325] : memref<2x200x128xf32, #tpu.memory_space<vmem>> -> memref<1x200x128xf32, #tpu.memory_space<vmem>>
        %dma_start3A_327 = tpu.memref_squeeze %dma_start3A_326 : memref<1x200x128xf32, #tpu.memory_space<vmem>> -> memref<200x128xf32, #tpu.memory_space<vmem>>
        %dma_start3A_328 = arith.constant 100 : i32
        %dma_start3A_329 = arith.constant 0 : i32
        %dma_start3A_330 = tpu.memref_slice %dma_start3A_327[%dma_start3A_328, %dma_start3A_329] : memref<200x128xf32, #tpu.memory_space<vmem>> -> memref<100x128xf32, #tpu.memory_space<vmem>>
        %dma_start3A_331 = arith.constant 0 : i32
        %dma_start3A_332 = tpu.memref_slice %arg5[%dma_start3A_322, %dma_start3A_331] : memref<10x100xi32, #tpu.memory_space<vmem>> -> memref<1x100xi32, #tpu.memory_space<vmem>>
        %dma_start3A_333 = tpu.memref_squeeze %dma_start3A_332 : memref<1x100xi32, #tpu.memory_space<vmem>> -> memref<100xi32, #tpu.memory_space<vmem>>
        %dma_start3A_334 = arith.constant 0 : i32
        %dma_start3A_335 = arith.constant 0 : i32
        %dma_start3A_336 = tpu.memref_slice %arg3[%dma_start3A_334, %dma_start3A_335] : memref<100000x128xf32, #tpu.memory_space<hbm>> -> memref<100000x128xf32, #tpu.memory_space<hbm>>
        tpu.enqueue_indirect_dma source(%dma_start3A_336 : memref<100000x128xf32, #tpu.memory_space<hbm>>) target(%dma_start3A_330 : memref<100x128xf32, #tpu.memory_space<vmem>>) offsets(%dma_start3A_333 : memref<100xi32, #tpu.memory_space<vmem>>) semaphore(%arg7 : memref<!tpu.dma_semaphore, #tpu.memory_space<semaphore_mem>>)
        %dma_wait3A_337 = arith.constant 6 : i32
        %dma_wait3A_338 = arith.constant 1 : i32
        %dma_wait3A_339 = arith.constant 0 : i32
        %dma_wait3A_340 = arith.constant 0 : i32
        %dma_wait3A_341 = tpu.memref_slice %arg6[%dma_wait3A_338, %dma_wait3A_339, %dma_wait3A_340] : memref<2x200x128xf32, #tpu.memory_space<vmem>> -> memref<1x200x128xf32, #tpu.memory_space<vmem>>
        %dma_wait3A_342 = tpu.memref_squeeze %dma_wait3A_341 : memref<1x200x128xf32, #tpu.memory_space<vmem>> -> memref<200x128xf32, #tpu.memory_space<vmem>>
        %dma_wait3A_343 = arith.constant 0 : i32
        %dma_wait3A_344 = arith.constant 0 : i32
        %dma_wait3A_345 = tpu.memref_slice %dma_wait3A_342[%dma_wait3A_343, %dma_wait3A_344] : memref<200x128xf32, #tpu.memory_space<vmem>> -> memref<100x128xf32, #tpu.memory_space<vmem>>
        %dma_wait3A_346 = arith.constant 0 : i32
        %dma_wait3A_347 = tpu.memref_slice %arg5[%dma_wait3A_337, %dma_wait3A_346] : memref<10x100xi32, #tpu.memory_space<vmem>> -> memref<1x100xi32, #tpu.memory_space<vmem>>
        %dma_wait3A_348 = tpu.memref_squeeze %dma_wait3A_347 : memref<1x100xi32, #tpu.memory_space<vmem>> -> memref<100xi32, #tpu.memory_space<vmem>>
        %dma_wait3A_349 = arith.constant 0 : i32
        %dma_wait3A_350 = arith.constant 0 : i32
        %dma_wait3A_351 = tpu.memref_slice %arg3[%dma_wait3A_349, %dma_wait3A_350] : memref<100000x128xf32, #tpu.memory_space<hbm>> -> memref<100000x128xf32, #tpu.memory_space<hbm>>
        tpu.wait_indirect_dma semaphore(%arg7 : memref<!tpu.dma_semaphore, #tpu.memory_space<semaphore_mem>>) src(%dma_wait3A_351 : memref<100000x128xf32, #tpu.memory_space<hbm>>) dst(%dma_wait3A_345 : memref<100x128xf32, #tpu.memory_space<vmem>>)
        %dma_wait3A_352 = arith.constant 7 : i32
        %dma_wait3A_353 = arith.constant 1 : i32
        %dma_wait3A_354 = arith.constant 0 : i32
        %dma_wait3A_355 = arith.constant 0 : i32
        %dma_wait3A_356 = tpu.memref_slice %arg6[%dma_wait3A_353, %dma_wait3A_354, %dma_wait3A_355] : memref<2x200x128xf32, #tpu.memory_space<vmem>> -> memref<1x200x128xf32, #tpu.memory_space<vmem>>
        %dma_wait3A_357 = tpu.memref_squeeze %dma_wait3A_356 : memref<1x200x128xf32, #tpu.memory_space<vmem>> -> memref<200x128xf32, #tpu.memory_space<vmem>>
        %dma_wait3A_358 = arith.constant 100 : i32
        %dma_wait3A_359 = arith.constant 0 : i32
        %dma_wait3A_360 = tpu.memref_slice %dma_wait3A_357[%dma_wait3A_358, %dma_wait3A_359] : memref<200x128xf32, #tpu.memory_space<vmem>> -> memref<100x128xf32, #tpu.memory_space<vmem>>
        %dma_wait3A_361 = arith.constant 0 : i32
        %dma_wait3A_362 = tpu.memref_slice %arg5[%dma_wait3A_352, %dma_wait3A_361] : memref<10x100xi32, #tpu.memory_space<vmem>> -> memref<1x100xi32, #tpu.memory_space<vmem>>
        %dma_wait3A_363 = tpu.memref_squeeze %dma_wait3A_362 : memref<1x100xi32, #tpu.memory_space<vmem>> -> memref<100xi32, #tpu.memory_space<vmem>>
        %dma_wait3A_364 = arith.constant 0 : i32
        %dma_wait3A_365 = arith.constant 0 : i32
        %dma_wait3A_366 = tpu.memref_slice %arg3[%dma_wait3A_364, %dma_wait3A_365] : memref<100000x128xf32, #tpu.memory_space<hbm>> -> memref<100000x128xf32, #tpu.memory_space<hbm>>
        tpu.wait_indirect_dma semaphore(%arg7 : memref<!tpu.dma_semaphore, #tpu.memory_space<semaphore_mem>>) src(%dma_wait3A_366 : memref<100000x128xf32, #tpu.memory_space<hbm>>) dst(%dma_wait3A_360 : memref<100x128xf32, #tpu.memory_space<vmem>>)
        %dma_start3A_367 = arith.constant 1 : i32
        %dma_start3A_368 = arith.constant 0 : i32
        %dma_start3A_369 = arith.constant 0 : i32
        %dma_start3A_370 = tpu.memref_slice %arg6[%dma_start3A_367, %dma_start3A_368, %dma_start3A_369] : memref<2x200x128xf32, #tpu.memory_space<vmem>> -> memref<1x200x128xf32, #tpu.memory_space<vmem>>
        %dma_start3A_371 = tpu.memref_squeeze %dma_start3A_370 : memref<1x200x128xf32, #tpu.memory_space<vmem>> -> memref<200x128xf32, #tpu.memory_space<vmem>>
        %dma_start3A_372 = arith.constant 0 : i32
        %dma_start3A_373 = arith.constant 0 : i32
        %dma_start3A_374 = tpu.memref_slice %arg4[%add3A_9, %dma_start3A_372, %dma_start3A_373] : memref<100x1000x128xf32, #tpu.memory_space<hbm>> -> memref<1x1000x128xf32, #tpu.memory_space<hbm>>
        %dma_start3A_375 = tpu.memref_squeeze %dma_start3A_374 : memref<1x1000x128xf32, #tpu.memory_space<hbm>> -> memref<1000x128xf32, #tpu.memory_space<hbm>>
        %dma_start3A_376 = arith.constant 600 : i32
        %dma_start3A_377 = arith.constant 0 : i32
        %dma_start3A_378 = tpu.memref_slice %dma_start3A_375[%dma_start3A_376, %dma_start3A_377] : memref<1000x128xf32, #tpu.memory_space<hbm>> -> memref<200x128xf32, #tpu.memory_space<hbm>>
        %dma_start3A_379 = arith.constant 0 : i32
        %dma_start3A_380 = arith.constant 0 : i32
        %dma_start3A_381 = tpu.memref_slice %arg4[%add3A_9, %dma_start3A_379, %dma_start3A_380] : memref<100x1000x128xf32, #tpu.memory_space<hbm>> -> memref<1x1000x128xf32, #tpu.memory_space<hbm>>
        %dma_start3A_382 = tpu.memref_squeeze %dma_start3A_381 : memref<1x1000x128xf32, #tpu.memory_space<hbm>> -> memref<1000x128xf32, #tpu.memory_space<hbm>>
        %dma_start3A_383 = arith.constant 600 : i32
        %dma_start3A_384 = arith.constant 0 : i32
        %dma_start3A_385 = tpu.memref_slice %dma_start3A_382[%dma_start3A_383, %dma_start3A_384] : memref<1000x128xf32, #tpu.memory_space<hbm>> -> memref<200x128xf32, #tpu.memory_space<hbm>>
        %dma_start3A_386 = arith.constant 0 : i32
        %dma_start3A_387 = arith.constant 0 : i32
        %dma_start3A_388 = tpu.memref_slice %arg6[%dma_start3A_367, %dma_start3A_386, %dma_start3A_387] : memref<2x200x128xf32, #tpu.memory_space<vmem>> -> memref<1x200x128xf32, #tpu.memory_space<vmem>>
        %dma_start3A_389 = tpu.memref_squeeze %dma_start3A_388 : memref<1x200x128xf32, #tpu.memory_space<vmem>> -> memref<200x128xf32, #tpu.memory_space<vmem>>
        tpu.enqueue_dma source(%dma_start3A_389 : memref<200x128xf32, #tpu.memory_space<vmem>>) target(%dma_start3A_385 : memref<200x128xf32, #tpu.memory_space<hbm>>) target_semaphore(%arg9 : memref<!tpu.dma_semaphore, #tpu.memory_space<semaphore_mem>>)
        %dma_wait3A_390 = arith.constant 0 : i32
        %dma_wait3A_391 = arith.constant 0 : i32
        %dma_wait3A_392 = arith.constant 0 : i32
        %dma_wait3A_393 = arith.constant 0 : i32
        %dma_wait3A_394 = tpu.memref_slice %arg6[%dma_wait3A_391, %dma_wait3A_392, %dma_wait3A_393] : memref<2x200x128xf32, #tpu.memory_space<vmem>> -> memref<1x200x128xf32, #tpu.memory_space<vmem>>
        %dma_wait3A_395 = tpu.memref_squeeze %dma_wait3A_394 : memref<1x200x128xf32, #tpu.memory_space<vmem>> -> memref<200x128xf32, #tpu.memory_space<vmem>>
        %dma_wait3A_396 = arith.constant 0 : i32
        %dma_wait3A_397 = arith.constant 0 : i32
        %dma_wait3A_398 = tpu.memref_slice %arg4[%dma_wait3A_390, %dma_wait3A_396, %dma_wait3A_397] : memref<100x1000x128xf32, #tpu.memory_space<hbm>> -> memref<1x1000x128xf32, #tpu.memory_space<hbm>>
        %dma_wait3A_399 = tpu.memref_squeeze %dma_wait3A_398 : memref<1x1000x128xf32, #tpu.memory_space<hbm>> -> memref<1000x128xf32, #tpu.memory_space<hbm>>
        %dma_wait3A_400 = arith.constant 0 : i32
        %dma_wait3A_401 = arith.constant 0 : i32
        %dma_wait3A_402 = tpu.memref_slice %dma_wait3A_399[%dma_wait3A_400, %dma_wait3A_401] : memref<1000x128xf32, #tpu.memory_space<hbm>> -> memref<200x128xf32, #tpu.memory_space<hbm>>
        %dma_wait3A_403 = arith.constant 0 : i32
        %dma_wait3A_404 = arith.constant 0 : i32
        %dma_wait3A_405 = tpu.memref_slice %arg6[%dma_wait3A_391, %dma_wait3A_403, %dma_wait3A_404] : memref<2x200x128xf32, #tpu.memory_space<vmem>> -> memref<1x200x128xf32, #tpu.memory_space<vmem>>
        %dma_wait3A_406 = tpu.memref_squeeze %dma_wait3A_405 : memref<1x200x128xf32, #tpu.memory_space<vmem>> -> memref<200x128xf32, #tpu.memory_space<vmem>>
        %dma_wait3A_407 = arith.constant 0 : i32
        %dma_wait3A_408 = arith.constant 0 : i32
        %dma_wait3A_409 = tpu.memref_slice %arg4[%dma_wait3A_390, %dma_wait3A_407, %dma_wait3A_408] : memref<100x1000x128xf32, #tpu.memory_space<hbm>> -> memref<1x1000x128xf32, #tpu.memory_space<hbm>>
        %dma_wait3A_410 = tpu.memref_squeeze %dma_wait3A_409 : memref<1x1000x128xf32, #tpu.memory_space<hbm>> -> memref<1000x128xf32, #tpu.memory_space<hbm>>
        %dma_wait3A_411 = arith.constant 0 : i32
        %dma_wait3A_412 = arith.constant 0 : i32
        %dma_wait3A_413 = tpu.memref_slice %dma_wait3A_410[%dma_wait3A_411, %dma_wait3A_412] : memref<1000x128xf32, #tpu.memory_space<hbm>> -> memref<200x128xf32, #tpu.memory_space<hbm>>
        tpu.wait_dma2 semaphore(%arg8 : memref<!tpu.dma_semaphore, #tpu.memory_space<semaphore_mem>>) src(%dma_wait3A_413 : memref<200x128xf32, #tpu.memory_space<hbm>>) dst(%dma_wait3A_406 : memref<200x128xf32, #tpu.memory_space<vmem>>)
        %dma_start3A_414 = arith.constant 8 : i32
        %dma_start3A_415 = arith.constant 0 : i32
        %dma_start3A_416 = arith.constant 0 : i32
        %dma_start3A_417 = arith.constant 0 : i32
        %dma_start3A_418 = tpu.memref_slice %arg6[%dma_start3A_415, %dma_start3A_416, %dma_start3A_417] : memref<2x200x128xf32, #tpu.memory_space<vmem>> -> memref<1x200x128xf32, #tpu.memory_space<vmem>>
        %dma_start3A_419 = tpu.memref_squeeze %dma_start3A_418 : memref<1x200x128xf32, #tpu.memory_space<vmem>> -> memref<200x128xf32, #tpu.memory_space<vmem>>
        %dma_start3A_420 = arith.constant 0 : i32
        %dma_start3A_421 = arith.constant 0 : i32
        %dma_start3A_422 = tpu.memref_slice %dma_start3A_419[%dma_start3A_420, %dma_start3A_421] : memref<200x128xf32, #tpu.memory_space<vmem>> -> memref<100x128xf32, #tpu.memory_space<vmem>>
        %dma_start3A_423 = arith.constant 0 : i32
        %dma_start3A_424 = tpu.memref_slice %arg5[%dma_start3A_414, %dma_start3A_423] : memref<10x100xi32, #tpu.memory_space<vmem>> -> memref<1x100xi32, #tpu.memory_space<vmem>>
        %dma_start3A_425 = tpu.memref_squeeze %dma_start3A_424 : memref<1x100xi32, #tpu.memory_space<vmem>> -> memref<100xi32, #tpu.memory_space<vmem>>
        %dma_start3A_426 = arith.constant 0 : i32
        %dma_start3A_427 = arith.constant 0 : i32
        %dma_start3A_428 = tpu.memref_slice %arg3[%dma_start3A_426, %dma_start3A_427] : memref<100000x128xf32, #tpu.memory_space<hbm>> -> memref<100000x128xf32, #tpu.memory_space<hbm>>
        tpu.enqueue_indirect_dma source(%dma_start3A_428 : memref<100000x128xf32, #tpu.memory_space<hbm>>) target(%dma_start3A_422 : memref<100x128xf32, #tpu.memory_space<vmem>>) offsets(%dma_start3A_425 : memref<100xi32, #tpu.memory_space<vmem>>) semaphore(%arg7 : memref<!tpu.dma_semaphore, #tpu.memory_space<semaphore_mem>>)
        %dma_start3A_429 = arith.constant 9 : i32
        %dma_start3A_430 = arith.constant 0 : i32
        %dma_start3A_431 = arith.constant 0 : i32
        %dma_start3A_432 = arith.constant 0 : i32
        %dma_start3A_433 = tpu.memref_slice %arg6[%dma_start3A_430, %dma_start3A_431, %dma_start3A_432] : memref<2x200x128xf32, #tpu.memory_space<vmem>> -> memref<1x200x128xf32, #tpu.memory_space<vmem>>
        %dma_start3A_434 = tpu.memref_squeeze %dma_start3A_433 : memref<1x200x128xf32, #tpu.memory_space<vmem>> -> memref<200x128xf32, #tpu.memory_space<vmem>>
        %dma_start3A_435 = arith.constant 100 : i32
        %dma_start3A_436 = arith.constant 0 : i32
        %dma_start3A_437 = tpu.memref_slice %dma_start3A_434[%dma_start3A_435, %dma_start3A_436] : memref<200x128xf32, #tpu.memory_space<vmem>> -> memref<100x128xf32, #tpu.memory_space<vmem>>
        %dma_start3A_438 = arith.constant 0 : i32
        %dma_start3A_439 = tpu.memref_slice %arg5[%dma_start3A_429, %dma_start3A_438] : memref<10x100xi32, #tpu.memory_space<vmem>> -> memref<1x100xi32, #tpu.memory_space<vmem>>
        %dma_start3A_440 = tpu.memref_squeeze %dma_start3A_439 : memref<1x100xi32, #tpu.memory_space<vmem>> -> memref<100xi32, #tpu.memory_space<vmem>>
        %dma_start3A_441 = arith.constant 0 : i32
        %dma_start3A_442 = arith.constant 0 : i32
        %dma_start3A_443 = tpu.memref_slice %arg3[%dma_start3A_441, %dma_start3A_442] : memref<100000x128xf32, #tpu.memory_space<hbm>> -> memref<100000x128xf32, #tpu.memory_space<hbm>>
        tpu.enqueue_indirect_dma source(%dma_start3A_443 : memref<100000x128xf32, #tpu.memory_space<hbm>>) target(%dma_start3A_437 : memref<100x128xf32, #tpu.memory_space<vmem>>) offsets(%dma_start3A_440 : memref<100xi32, #tpu.memory_space<vmem>>) semaphore(%arg7 : memref<!tpu.dma_semaphore, #tpu.memory_space<semaphore_mem>>)
        %dma_wait3A_444 = arith.constant 8 : i32
        %dma_wait3A_445 = arith.constant 0 : i32
        %dma_wait3A_446 = arith.constant 0 : i32
        %dma_wait3A_447 = arith.constant 0 : i32
        %dma_wait3A_448 = tpu.memref_slice %arg6[%dma_wait3A_445, %dma_wait3A_446, %dma_wait3A_447] : memref<2x200x128xf32, #tpu.memory_space<vmem>> -> memref<1x200x128xf32, #tpu.memory_space<vmem>>
        %dma_wait3A_449 = tpu.memref_squeeze %dma_wait3A_448 : memref<1x200x128xf32, #tpu.memory_space<vmem>> -> memref<200x128xf32, #tpu.memory_space<vmem>>
        %dma_wait3A_450 = arith.constant 0 : i32
        %dma_wait3A_451 = arith.constant 0 : i32
        %dma_wait3A_452 = tpu.memref_slice %dma_wait3A_449[%dma_wait3A_450, %dma_wait3A_451] : memref<200x128xf32, #tpu.memory_space<vmem>> -> memref<100x128xf32, #tpu.memory_space<vmem>>
        %dma_wait3A_453 = arith.constant 0 : i32
        %dma_wait3A_454 = tpu.memref_slice %arg5[%dma_wait3A_444, %dma_wait3A_453] : memref<10x100xi32, #tpu.memory_space<vmem>> -> memref<1x100xi32, #tpu.memory_space<vmem>>
        %dma_wait3A_455 = tpu.memref_squeeze %dma_wait3A_454 : memref<1x100xi32, #tpu.memory_space<vmem>> -> memref<100xi32, #tpu.memory_space<vmem>>
        %dma_wait3A_456 = arith.constant 0 : i32
        %dma_wait3A_457 = arith.constant 0 : i32
        %dma_wait3A_458 = tpu.memref_slice %arg3[%dma_wait3A_456, %dma_wait3A_457] : memref<100000x128xf32, #tpu.memory_space<hbm>> -> memref<100000x128xf32, #tpu.memory_space<hbm>>
        tpu.wait_indirect_dma semaphore(%arg7 : memref<!tpu.dma_semaphore, #tpu.memory_space<semaphore_mem>>) src(%dma_wait3A_458 : memref<100000x128xf32, #tpu.memory_space<hbm>>) dst(%dma_wait3A_452 : memref<100x128xf32, #tpu.memory_space<vmem>>)
        %dma_wait3A_459 = arith.constant 9 : i32
        %dma_wait3A_460 = arith.constant 0 : i32
        %dma_wait3A_461 = arith.constant 0 : i32
        %dma_wait3A_462 = arith.constant 0 : i32
        %dma_wait3A_463 = tpu.memref_slice %arg6[%dma_wait3A_460, %dma_wait3A_461, %dma_wait3A_462] : memref<2x200x128xf32, #tpu.memory_space<vmem>> -> memref<1x200x128xf32, #tpu.memory_space<vmem>>
        %dma_wait3A_464 = tpu.memref_squeeze %dma_wait3A_463 : memref<1x200x128xf32, #tpu.memory_space<vmem>> -> memref<200x128xf32, #tpu.memory_space<vmem>>
        %dma_wait3A_465 = arith.constant 100 : i32
        %dma_wait3A_466 = arith.constant 0 : i32
        %dma_wait3A_467 = tpu.memref_slice %dma_wait3A_464[%dma_wait3A_465, %dma_wait3A_466] : memref<200x128xf32, #tpu.memory_space<vmem>> -> memref<100x128xf32, #tpu.memory_space<vmem>>
        %dma_wait3A_468 = arith.constant 0 : i32
        %dma_wait3A_469 = tpu.memref_slice %arg5[%dma_wait3A_459, %dma_wait3A_468] : memref<10x100xi32, #tpu.memory_space<vmem>> -> memref<1x100xi32, #tpu.memory_space<vmem>>
        %dma_wait3A_470 = tpu.memref_squeeze %dma_wait3A_469 : memref<1x100xi32, #tpu.memory_space<vmem>> -> memref<100xi32, #tpu.memory_space<vmem>>
        %dma_wait3A_471 = arith.constant 0 : i32
        %dma_wait3A_472 = arith.constant 0 : i32
        %dma_wait3A_473 = tpu.memref_slice %arg3[%dma_wait3A_471, %dma_wait3A_472] : memref<100000x128xf32, #tpu.memory_space<hbm>> -> memref<100000x128xf32, #tpu.memory_space<hbm>>
        tpu.wait_indirect_dma semaphore(%arg7 : memref<!tpu.dma_semaphore, #tpu.memory_space<semaphore_mem>>) src(%dma_wait3A_473 : memref<100000x128xf32, #tpu.memory_space<hbm>>) dst(%dma_wait3A_467 : memref<100x128xf32, #tpu.memory_space<vmem>>)
        %dma_start3A_474 = arith.constant 0 : i32
        %dma_start3A_475 = arith.constant 0 : i32
        %dma_start3A_476 = arith.constant 0 : i32
        %dma_start3A_477 = tpu.memref_slice %arg6[%dma_start3A_474, %dma_start3A_475, %dma_start3A_476] : memref<2x200x128xf32, #tpu.memory_space<vmem>> -> memref<1x200x128xf32, #tpu.memory_space<vmem>>
        %dma_start3A_478 = tpu.memref_squeeze %dma_start3A_477 : memref<1x200x128xf32, #tpu.memory_space<vmem>> -> memref<200x128xf32, #tpu.memory_space<vmem>>
        %dma_start3A_479 = arith.constant 0 : i32
        %dma_start3A_480 = arith.constant 0 : i32
        %dma_start3A_481 = tpu.memref_slice %arg4[%add3A_9, %dma_start3A_479, %dma_start3A_480] : memref<100x1000x128xf32, #tpu.memory_space<hbm>> -> memref<1x1000x128xf32, #tpu.memory_space<hbm>>
        %dma_start3A_482 = tpu.memref_squeeze %dma_start3A_481 : memref<1x1000x128xf32, #tpu.memory_space<hbm>> -> memref<1000x128xf32, #tpu.memory_space<hbm>>
        %dma_start3A_483 = arith.constant 800 : i32
        %dma_start3A_484 = arith.constant 0 : i32
        %dma_start3A_485 = tpu.memref_slice %dma_start3A_482[%dma_start3A_483, %dma_start3A_484] : memref<1000x128xf32, #tpu.memory_space<hbm>> -> memref<200x128xf32, #tpu.memory_space<hbm>>
        %dma_start3A_486 = arith.constant 0 : i32
        %dma_start3A_487 = arith.constant 0 : i32
        %dma_start3A_488 = tpu.memref_slice %arg4[%add3A_9, %dma_start3A_486, %dma_start3A_487] : memref<100x1000x128xf32, #tpu.memory_space<hbm>> -> memref<1x1000x128xf32, #tpu.memory_space<hbm>>
        %dma_start3A_489 = tpu.memref_squeeze %dma_start3A_488 : memref<1x1000x128xf32, #tpu.memory_space<hbm>> -> memref<1000x128xf32, #tpu.memory_space<hbm>>
        %dma_start3A_490 = arith.constant 800 : i32
        %dma_start3A_491 = arith.constant 0 : i32
        %dma_start3A_492 = tpu.memref_slice %dma_start3A_489[%dma_start3A_490, %dma_start3A_491] : memref<1000x128xf32, #tpu.memory_space<hbm>> -> memref<200x128xf32, #tpu.memory_space<hbm>>
        %dma_start3A_493 = arith.constant 0 : i32
        %dma_start3A_494 = arith.constant 0 : i32
        %dma_start3A_495 = tpu.memref_slice %arg6[%dma_start3A_474, %dma_start3A_493, %dma_start3A_494] : memref<2x200x128xf32, #tpu.memory_space<vmem>> -> memref<1x200x128xf32, #tpu.memory_space<vmem>>
        %dma_start3A_496 = tpu.memref_squeeze %dma_start3A_495 : memref<1x200x128xf32, #tpu.memory_space<vmem>> -> memref<200x128xf32, #tpu.memory_space<vmem>>
        tpu.enqueue_dma source(%dma_start3A_496 : memref<200x128xf32, #tpu.memory_space<vmem>>) target(%dma_start3A_492 : memref<200x128xf32, #tpu.memory_space<hbm>>) target_semaphore(%arg8 : memref<!tpu.dma_semaphore, #tpu.memory_space<semaphore_mem>>)
        %dma_wait3A_497 = arith.constant 0 : i32
        %dma_wait3A_498 = arith.constant 1 : i32
        %dma_wait3A_499 = arith.constant 0 : i32
        %dma_wait3A_500 = arith.constant 0 : i32
        %dma_wait3A_501 = tpu.memref_slice %arg6[%dma_wait3A_498, %dma_wait3A_499, %dma_wait3A_500] : memref<2x200x128xf32, #tpu.memory_space<vmem>> -> memref<1x200x128xf32, #tpu.memory_space<vmem>>
        %dma_wait3A_502 = tpu.memref_squeeze %dma_wait3A_501 : memref<1x200x128xf32, #tpu.memory_space<vmem>> -> memref<200x128xf32, #tpu.memory_space<vmem>>
        %dma_wait3A_503 = arith.constant 0 : i32
        %dma_wait3A_504 = arith.constant 0 : i32
        %dma_wait3A_505 = tpu.memref_slice %arg4[%dma_wait3A_497, %dma_wait3A_503, %dma_wait3A_504] : memref<100x1000x128xf32, #tpu.memory_space<hbm>> -> memref<1x1000x128xf32, #tpu.memory_space<hbm>>
        %dma_wait3A_506 = tpu.memref_squeeze %dma_wait3A_505 : memref<1x1000x128xf32, #tpu.memory_space<hbm>> -> memref<1000x128xf32, #tpu.memory_space<hbm>>
        %dma_wait3A_507 = arith.constant 0 : i32
        %dma_wait3A_508 = arith.constant 0 : i32
        %dma_wait3A_509 = tpu.memref_slice %dma_wait3A_506[%dma_wait3A_507, %dma_wait3A_508] : memref<1000x128xf32, #tpu.memory_space<hbm>> -> memref<200x128xf32, #tpu.memory_space<hbm>>
        %dma_wait3A_510 = arith.constant 0 : i32
        %dma_wait3A_511 = arith.constant 0 : i32
        %dma_wait3A_512 = tpu.memref_slice %arg6[%dma_wait3A_498, %dma_wait3A_510, %dma_wait3A_511] : memref<2x200x128xf32, #tpu.memory_space<vmem>> -> memref<1x200x128xf32, #tpu.memory_space<vmem>>
        %dma_wait3A_513 = tpu.memref_squeeze %dma_wait3A_512 : memref<1x200x128xf32, #tpu.memory_space<vmem>> -> memref<200x128xf32, #tpu.memory_space<vmem>>
        %dma_wait3A_514 = arith.constant 0 : i32
        %dma_wait3A_515 = arith.constant 0 : i32
        %dma_wait3A_516 = tpu.memref_slice %arg4[%dma_wait3A_497, %dma_wait3A_514, %dma_wait3A_515] : memref<100x1000x128xf32, #tpu.memory_space<hbm>> -> memref<1x1000x128xf32, #tpu.memory_space<hbm>>
        %dma_wait3A_517 = tpu.memref_squeeze %dma_wait3A_516 : memref<1x1000x128xf32, #tpu.memory_space<hbm>> -> memref<1000x128xf32, #tpu.memory_space<hbm>>
        %dma_wait3A_518 = arith.constant 0 : i32
        %dma_wait3A_519 = arith.constant 0 : i32
        %dma_wait3A_520 = tpu.memref_slice %dma_wait3A_517[%dma_wait3A_518, %dma_wait3A_519] : memref<1000x128xf32, #tpu.memory_space<hbm>> -> memref<200x128xf32, #tpu.memory_space<hbm>>
        tpu.wait_dma2 semaphore(%arg9 : memref<!tpu.dma_semaphore, #tpu.memory_space<semaphore_mem>>) src(%dma_wait3A_520 : memref<200x128xf32, #tpu.memory_space<hbm>>) dst(%dma_wait3A_513 : memref<200x128xf32, #tpu.memory_space<vmem>>)
        %dma_wait3A_521 = arith.constant 0 : i32
        %dma_wait3A_522 = arith.constant 0 : i32
        %dma_wait3A_523 = arith.constant 0 : i32
        %dma_wait3A_524 = arith.constant 0 : i32
        %dma_wait3A_525 = tpu.memref_slice %arg6[%dma_wait3A_522, %dma_wait3A_523, %dma_wait3A_524] : memref<2x200x128xf32, #tpu.memory_space<vmem>> -> memref<1x200x128xf32, #tpu.memory_space<vmem>>
        %dma_wait3A_526 = tpu.memref_squeeze %dma_wait3A_525 : memref<1x200x128xf32, #tpu.memory_space<vmem>> -> memref<200x128xf32, #tpu.memory_space<vmem>>
        %dma_wait3A_527 = arith.constant 0 : i32
        %dma_wait3A_528 = arith.constant 0 : i32
        %dma_wait3A_529 = tpu.memref_slice %arg4[%dma_wait3A_521, %dma_wait3A_527, %dma_wait3A_528] : memref<100x1000x128xf32, #tpu.memory_space<hbm>> -> memref<1x1000x128xf32, #tpu.memory_space<hbm>>
        %dma_wait3A_530 = tpu.memref_squeeze %dma_wait3A_529 : memref<1x1000x128xf32, #tpu.memory_space<hbm>> -> memref<1000x128xf32, #tpu.memory_space<hbm>>
        %dma_wait3A_531 = arith.constant 0 : i32
        %dma_wait3A_532 = arith.constant 0 : i32
        %dma_wait3A_533 = tpu.memref_slice %dma_wait3A_530[%dma_wait3A_531, %dma_wait3A_532] : memref<1000x128xf32, #tpu.memory_space<hbm>> -> memref<200x128xf32, #tpu.memory_space<hbm>>
        %dma_wait3A_534 = arith.constant 0 : i32
        %dma_wait3A_535 = arith.constant 0 : i32
        %dma_wait3A_536 = tpu.memref_slice %arg6[%dma_wait3A_522, %dma_wait3A_534, %dma_wait3A_535] : memref<2x200x128xf32, #tpu.memory_space<vmem>> -> memref<1x200x128xf32, #tpu.memory_space<vmem>>
        %dma_wait3A_537 = tpu.memref_squeeze %dma_wait3A_536 : memref<1x200x128xf32, #tpu.memory_space<vmem>> -> memref<200x128xf32, #tpu.memory_space<vmem>>
        %dma_wait3A_538 = arith.constant 0 : i32
        %dma_wait3A_539 = arith.constant 0 : i32
        %dma_wait3A_540 = tpu.memref_slice %arg4[%dma_wait3A_521, %dma_wait3A_538, %dma_wait3A_539] : memref<100x1000x128xf32, #tpu.memory_space<hbm>> -> memref<1x1000x128xf32, #tpu.memory_space<hbm>>
        %dma_wait3A_541 = tpu.memref_squeeze %dma_wait3A_540 : memref<1x1000x128xf32, #tpu.memory_space<hbm>> -> memref<1000x128xf32, #tpu.memory_space<hbm>>
        %dma_wait3A_542 = arith.constant 0 : i32
        %dma_wait3A_543 = arith.constant 0 : i32
        %dma_wait3A_544 = tpu.memref_slice %dma_wait3A_541[%dma_wait3A_542, %dma_wait3A_543] : memref<1000x128xf32, #tpu.memory_space<hbm>> -> memref<200x128xf32, #tpu.memory_space<hbm>>
        tpu.wait_dma2 semaphore(%arg8 : memref<!tpu.dma_semaphore, #tpu.memory_space<semaphore_mem>>) src(%dma_wait3A_544 : memref<200x128xf32, #tpu.memory_space<hbm>>) dst(%dma_wait3A_537 : memref<200x128xf32, #tpu.memory_space<vmem>>)
      } else {
      }
    }
    %scan3A_5 = arith.constant 4 : i32
    return
  }
}

module attributes {stable_mosaic.version = 14 : i64} {
  func.func @_tc_body(%arg0: i32, %arg1: memref<4x1000x128xf32, #tpu.memory_space<vmem>>, %arg2: memref<4x1000x1xf32, #tpu.memory_space<vmem>>, %arg3: memref<4x1x128xi32, #tpu.memory_space<vmem>>) attributes {dimension_semantics = [#tpu.dimension_semantics<arbitrary>], iteration_bounds = array<i64: 25>, scalar_prefetch = 0 : i64, scratch_operands = 0 : i64, tpu.core_type = #tpu.core_type<tc>, window_params = [{transform_indices = @transform_0, window_bounds = array<i64: 4, 1000, 128>}, {transform_indices = @transform_1, window_bounds = array<i64: 4, 1000, 1>}, {transform_indices = @transform_2, window_bounds = array<i64: 4, 1, 128>}]} {
    %get3A = arith.constant 0 : index
    %get3A_0 = arith.constant 0 : index
    %get3A_1 = arith.constant 0 : index
    %get3A_2 = vector.load %arg1[%get3A, %get3A_0, %get3A_1] : memref<4x1000x128xf32, #tpu.memory_space<vmem>>, vector<1x1000x128xf32>
    %get3A_3 = vector.shape_cast %get3A_2 : vector<1x1000x128xf32> to vector<1000x128xf32>
    %reduce_sum3A = arith.constant dense<0.000000e+00> : vector<128xf32>
    %reduce_sum3A_4 = vector.multi_reduction <add>, %get3A_3, %reduce_sum3A [0] : vector<1000x128xf32> to vector<128xf32>
    %broadcast_in_dim3A = vector.shape_cast %reduce_sum3A_4 : vector<128xf32> to vector<1x128xf32>
    %div3A = arith.constant 1.000000e+03 : f32
    %div3A_5 = vector.broadcast %div3A : f32 to vector<1x128xf32>
    %div3A_6 = arith.divf %broadcast_in_dim3A, %div3A_5 : vector<1x128xf32>
    %dot_general3A = arith.constant dense<0.000000e+00> : vector<1x1000xf32>
    %dot_general3A_7 = tpu.matmul %div3A_6, %get3A_3, %dot_general3A {dimension_numbers = #tpu.dot_dimension_numbers<[1], [1], [0], [0], [0, 0, 1, 0], [], []>, transpose_lhs_hint = false} : vector<1x128xf32>, vector<1000x128xf32>, vector<1x1000xf32> -> vector<1x1000xf32>
    %transpose3A = tpu.transpose %dot_general3A_7, [1, 0] : vector<1x1000xf32> -> vector<1000x1xf32>
    %iota3A = tpu.iota {dimensions = array<i32: 0>} : vector<1000x1xi32>
    %iota3A_8 = tpu.iota {dimensions = array<i32: 1>} : vector<1x1000xi32>
    %lt3A = vector.broadcast %iota3A_8 : vector<1x1000xi32> to vector<1000x1000xi32>
    %lt3A_9 = vector.broadcast %iota3A : vector<1000x1xi32> to vector<1000x1000xi32>
    %lt3A_10 = arith.cmpi slt, %lt3A, %lt3A_9 : vector<1000x1000xi32>
    %lt3A_11 = vector.broadcast %dot_general3A_7 : vector<1x1000xf32> to vector<1000x1000xf32>
    %lt3A_12 = vector.broadcast %transpose3A : vector<1000x1xf32> to vector<1000x1000xf32>
    %lt3A_13 = arith.cmpf olt, %lt3A_11, %lt3A_12 : vector<1000x1000xf32>
    %eq3A = vector.broadcast %dot_general3A_7 : vector<1x1000xf32> to vector<1000x1000xf32>
    %eq3A_14 = vector.broadcast %transpose3A : vector<1000x1xf32> to vector<1000x1000xf32>
    %eq3A_15 = arith.cmpf oeq, %eq3A, %eq3A_14 : vector<1000x1000xf32>
    %and3A = arith.andi %eq3A_15, %lt3A_10 : vector<1000x1000xi1>
    %or3A = arith.ori %lt3A_13, %and3A : vector<1000x1000xi1>
    %jit3A = arith.constant 1.000000e+00 : f32
    %jit3A_16 = arith.constant 0.000000e+00 : f32
    %broadcast_in_dim3A_17 = vector.broadcast %jit3A : f32 to vector<1000x1000xf32>
    %broadcast_in_dim3A_18 = vector.broadcast %jit3A_16 : f32 to vector<1000x1000xf32>
    %select_n3A = arith.select %or3A, %broadcast_in_dim3A_17, %broadcast_in_dim3A_18 : vector<1000x1000xi1>, vector<1000x1000xf32>
    %reduce_sum3A_19 = arith.constant dense<0.000000e+00> : vector<1000xf32>
    %reduce_sum3A_20 = vector.multi_reduction <add>, %select_n3A, %reduce_sum3A_19 [1] : vector<1000x1000xf32> to vector<1000xf32>
    %broadcast_in_dim3A_21 = vector.shape_cast %reduce_sum3A_20 : vector<1000xf32> to vector<1000x1xf32>
    %iota3A_22 = tpu.iota {dimensions = array<i32: 1>} : vector<1x128xi32>
    %convert_element_type3A = arith.sitofp %iota3A_22 : vector<1x128xi32> to vector<1x128xf32>
    %eq3A_23 = vector.broadcast %broadcast_in_dim3A_21 : vector<1000x1xf32> to vector<1000x128xf32>
    %eq3A_24 = vector.broadcast %convert_element_type3A : vector<1x128xf32> to vector<1000x128xf32>
    %eq3A_25 = arith.cmpf oeq, %eq3A_23, %eq3A_24 : vector<1000x128xf32>
    %get3A_26 = arith.constant 0 : index
    %get3A_27 = arith.constant 0 : index
    %get3A_28 = arith.constant 0 : index
    %get3A_29 = vector.load %arg2[%get3A_26, %get3A_27, %get3A_28] : memref<4x1000x1xf32, #tpu.memory_space<vmem>>, vector<1x1000x1xf32>
    %get3A_30 = vector.shape_cast %get3A_29 : vector<1x1000x1xf32> to vector<1000x1xf32>
    %broadcast_in_dim3A_31 = vector.shape_cast %get3A_30 : vector<1000x1xf32> to vector<1000x1xf32>
    %broadcast_in_dim3A_32 = vector.broadcast %broadcast_in_dim3A_31 : vector<1000x1xf32> to vector<1000x128xf32>
    %jit3A_33 = arith.constant 0.000000e+00 : f32
    %broadcast_in_dim3A_34 = vector.broadcast %jit3A_33 : f32 to vector<1000x128xf32>
    %select_n3A_35 = arith.select %eq3A_25, %broadcast_in_dim3A_32, %broadcast_in_dim3A_34 : vector<1000x128xi1>, vector<1000x128xf32>
    %reduce_sum3A_36 = arith.constant dense<0.000000e+00> : vector<128xf32>
    %reduce_sum3A_37 = vector.multi_reduction <add>, %select_n3A_35, %reduce_sum3A_36 [0] : vector<1000x128xf32> to vector<128xf32>
    %broadcast_in_dim3A_38 = vector.shape_cast %reduce_sum3A_37 : vector<128xf32> to vector<1x128xf32>
    %convert_element_type3A_39 = arith.fptosi %broadcast_in_dim3A_38 : vector<1x128xf32> to vector<1x128xi32>
    %swap3A = arith.constant 0 : index
    %swap3A_40 = arith.constant 0 : index
    %swap3A_41 = arith.constant 0 : index
    %swap3A_42 = vector.load %arg3[%swap3A, %swap3A_40, %swap3A_41] : memref<4x1x128xi32, #tpu.memory_space<vmem>>, vector<1x1x128xi32>
    %swap3A_43 = vector.shape_cast %swap3A_42 : vector<1x1x128xi32> to vector<1x128xi32>
    %swap3A_44 = vector.shape_cast %convert_element_type3A_39 : vector<1x128xi32> to vector<1x1x128xi32>
    tpu.vector_store %arg3[%swap3A, %swap3A_40, %swap3A_41], %swap3A_44 {strides = array<i32>} : memref<4x1x128xi32, #tpu.memory_space<vmem>>, vector<1x1x128xi32>,
    %get3A_45 = arith.constant 1 : index
    %get3A_46 = arith.constant 0 : index
    %get3A_47 = arith.constant 0 : index
    %get3A_48 = vector.load %arg1[%get3A_45, %get3A_46, %get3A_47] : memref<4x1000x128xf32, #tpu.memory_space<vmem>>, vector<1x1000x128xf32>
    %get3A_49 = vector.shape_cast %get3A_48 : vector<1x1000x128xf32> to vector<1000x128xf32>
    %reduce_sum3A_50 = arith.constant dense<0.000000e+00> : vector<128xf32>
    %reduce_sum3A_51 = vector.multi_reduction <add>, %get3A_49, %reduce_sum3A_50 [0] : vector<1000x128xf32> to vector<128xf32>
    %broadcast_in_dim3A_52 = vector.shape_cast %reduce_sum3A_51 : vector<128xf32> to vector<1x128xf32>
    %div3A_53 = arith.constant 1.000000e+03 : f32
    %div3A_54 = vector.broadcast %div3A_53 : f32 to vector<1x128xf32>
    %div3A_55 = arith.divf %broadcast_in_dim3A_52, %div3A_54 : vector<1x128xf32>
    %dot_general3A_56 = arith.constant dense<0.000000e+00> : vector<1x1000xf32>
    %dot_general3A_57 = tpu.matmul %div3A_55, %get3A_49, %dot_general3A_56 {dimension_numbers = #tpu.dot_dimension_numbers<[1], [1], [0], [0], [0, 0, 1, 0], [], []>, transpose_lhs_hint = false} : vector<1x128xf32>, vector<1000x128xf32>, vector<1x1000xf32> -> vector<1x1000xf32>
    %transpose3A_58 = tpu.transpose %dot_general3A_57, [1, 0] : vector<1x1000xf32> -> vector<1000x1xf32>
    %iota3A_59 = tpu.iota {dimensions = array<i32: 0>} : vector<1000x1xi32>
    %iota3A_60 = tpu.iota {dimensions = array<i32: 1>} : vector<1x1000xi32>
    %lt3A_61 = vector.broadcast %iota3A_60 : vector<1x1000xi32> to vector<1000x1000xi32>
    %lt3A_62 = vector.broadcast %iota3A_59 : vector<1000x1xi32> to vector<1000x1000xi32>
    %lt3A_63 = arith.cmpi slt, %lt3A_61, %lt3A_62 : vector<1000x1000xi32>
    %lt3A_64 = vector.broadcast %dot_general3A_57 : vector<1x1000xf32> to vector<1000x1000xf32>
    %lt3A_65 = vector.broadcast %transpose3A_58 : vector<1000x1xf32> to vector<1000x1000xf32>
    %lt3A_66 = arith.cmpf olt, %lt3A_64, %lt3A_65 : vector<1000x1000xf32>
    %eq3A_67 = vector.broadcast %dot_general3A_57 : vector<1x1000xf32> to vector<1000x1000xf32>
    %eq3A_68 = vector.broadcast %transpose3A_58 : vector<1000x1xf32> to vector<1000x1000xf32>
    %eq3A_69 = arith.cmpf oeq, %eq3A_67, %eq3A_68 : vector<1000x1000xf32>
    %and3A_70 = arith.andi %eq3A_69, %lt3A_63 : vector<1000x1000xi1>
    %or3A_71 = arith.ori %lt3A_66, %and3A_70 : vector<1000x1000xi1>
    %jit3A_72 = arith.constant 1.000000e+00 : f32
    %jit3A_73 = arith.constant 0.000000e+00 : f32
    %broadcast_in_dim3A_74 = vector.broadcast %jit3A_72 : f32 to vector<1000x1000xf32>
    %broadcast_in_dim3A_75 = vector.broadcast %jit3A_73 : f32 to vector<1000x1000xf32>
    %select_n3A_76 = arith.select %or3A_71, %broadcast_in_dim3A_74, %broadcast_in_dim3A_75 : vector<1000x1000xi1>, vector<1000x1000xf32>
    %reduce_sum3A_77 = arith.constant dense<0.000000e+00> : vector<1000xf32>
    %reduce_sum3A_78 = vector.multi_reduction <add>, %select_n3A_76, %reduce_sum3A_77 [1] : vector<1000x1000xf32> to vector<1000xf32>
    %broadcast_in_dim3A_79 = vector.shape_cast %reduce_sum3A_78 : vector<1000xf32> to vector<1000x1xf32>
    %iota3A_80 = tpu.iota {dimensions = array<i32: 1>} : vector<1x128xi32>
    %convert_element_type3A_81 = arith.sitofp %iota3A_80 : vector<1x128xi32> to vector<1x128xf32>
    %eq3A_82 = vector.broadcast %broadcast_in_dim3A_79 : vector<1000x1xf32> to vector<1000x128xf32>
    %eq3A_83 = vector.broadcast %convert_element_type3A_81 : vector<1x128xf32> to vector<1000x128xf32>
    %eq3A_84 = arith.cmpf oeq, %eq3A_82, %eq3A_83 : vector<1000x128xf32>
    %get3A_85 = arith.constant 1 : index
    %get3A_86 = arith.constant 0 : index
    %get3A_87 = arith.constant 0 : index
    %get3A_88 = vector.load %arg2[%get3A_85, %get3A_86, %get3A_87] : memref<4x1000x1xf32, #tpu.memory_space<vmem>>, vector<1x1000x1xf32>
    %get3A_89 = vector.shape_cast %get3A_88 : vector<1x1000x1xf32> to vector<1000x1xf32>
    %broadcast_in_dim3A_90 = vector.shape_cast %get3A_89 : vector<1000x1xf32> to vector<1000x1xf32>
    %broadcast_in_dim3A_91 = vector.broadcast %broadcast_in_dim3A_90 : vector<1000x1xf32> to vector<1000x128xf32>
    %jit3A_92 = arith.constant 0.000000e+00 : f32
    %broadcast_in_dim3A_93 = vector.broadcast %jit3A_92 : f32 to vector<1000x128xf32>
    %select_n3A_94 = arith.select %eq3A_84, %broadcast_in_dim3A_91, %broadcast_in_dim3A_93 : vector<1000x128xi1>, vector<1000x128xf32>
    %reduce_sum3A_95 = arith.constant dense<0.000000e+00> : vector<128xf32>
    %reduce_sum3A_96 = vector.multi_reduction <add>, %select_n3A_94, %reduce_sum3A_95 [0] : vector<1000x128xf32> to vector<128xf32>
    %broadcast_in_dim3A_97 = vector.shape_cast %reduce_sum3A_96 : vector<128xf32> to vector<1x128xf32>
    %convert_element_type3A_98 = arith.fptosi %broadcast_in_dim3A_97 : vector<1x128xf32> to vector<1x128xi32>
    %swap3A_99 = arith.constant 1 : index
    %swap3A_100 = arith.constant 0 : index
    %swap3A_101 = arith.constant 0 : index
    %swap3A_102 = vector.load %arg3[%swap3A_99, %swap3A_100, %swap3A_101] : memref<4x1x128xi32, #tpu.memory_space<vmem>>, vector<1x1x128xi32>
    %swap3A_103 = vector.shape_cast %swap3A_102 : vector<1x1x128xi32> to vector<1x128xi32>
    %swap3A_104 = vector.shape_cast %convert_element_type3A_98 : vector<1x128xi32> to vector<1x1x128xi32>
    tpu.vector_store %arg3[%swap3A_99, %swap3A_100, %swap3A_101], %swap3A_104 {strides = array<i32>} : memref<4x1x128xi32, #tpu.memory_space<vmem>>, vector<1x1x128xi32>,
    %get3A_105 = arith.constant 2 : index
    %get3A_106 = arith.constant 0 : index
    %get3A_107 = arith.constant 0 : index
    %get3A_108 = vector.load %arg1[%get3A_105, %get3A_106, %get3A_107] : memref<4x1000x128xf32, #tpu.memory_space<vmem>>, vector<1x1000x128xf32>
    %get3A_109 = vector.shape_cast %get3A_108 : vector<1x1000x128xf32> to vector<1000x128xf32>
    %reduce_sum3A_110 = arith.constant dense<0.000000e+00> : vector<128xf32>
    %reduce_sum3A_111 = vector.multi_reduction <add>, %get3A_109, %reduce_sum3A_110 [0] : vector<1000x128xf32> to vector<128xf32>
    %broadcast_in_dim3A_112 = vector.shape_cast %reduce_sum3A_111 : vector<128xf32> to vector<1x128xf32>
    %div3A_113 = arith.constant 1.000000e+03 : f32
    %div3A_114 = vector.broadcast %div3A_113 : f32 to vector<1x128xf32>
    %div3A_115 = arith.divf %broadcast_in_dim3A_112, %div3A_114 : vector<1x128xf32>
    %dot_general3A_116 = arith.constant dense<0.000000e+00> : vector<1x1000xf32>
    %dot_general3A_117 = tpu.matmul %div3A_115, %get3A_109, %dot_general3A_116 {dimension_numbers = #tpu.dot_dimension_numbers<[1], [1], [0], [0], [0, 0, 1, 0], [], []>, transpose_lhs_hint = false} : vector<1x128xf32>, vector<1000x128xf32>, vector<1x1000xf32> -> vector<1x1000xf32>
    %transpose3A_118 = tpu.transpose %dot_general3A_117, [1, 0] : vector<1x1000xf32> -> vector<1000x1xf32>
    %iota3A_119 = tpu.iota {dimensions = array<i32: 0>} : vector<1000x1xi32>
    %iota3A_120 = tpu.iota {dimensions = array<i32: 1>} : vector<1x1000xi32>
    %lt3A_121 = vector.broadcast %iota3A_120 : vector<1x1000xi32> to vector<1000x1000xi32>
    %lt3A_122 = vector.broadcast %iota3A_119 : vector<1000x1xi32> to vector<1000x1000xi32>
    %lt3A_123 = arith.cmpi slt, %lt3A_121, %lt3A_122 : vector<1000x1000xi32>
    %lt3A_124 = vector.broadcast %dot_general3A_117 : vector<1x1000xf32> to vector<1000x1000xf32>
    %lt3A_125 = vector.broadcast %transpose3A_118 : vector<1000x1xf32> to vector<1000x1000xf32>
    %lt3A_126 = arith.cmpf olt, %lt3A_124, %lt3A_125 : vector<1000x1000xf32>
    %eq3A_127 = vector.broadcast %dot_general3A_117 : vector<1x1000xf32> to vector<1000x1000xf32>
    %eq3A_128 = vector.broadcast %transpose3A_118 : vector<1000x1xf32> to vector<1000x1000xf32>
    %eq3A_129 = arith.cmpf oeq, %eq3A_127, %eq3A_128 : vector<1000x1000xf32>
    %and3A_130 = arith.andi %eq3A_129, %lt3A_123 : vector<1000x1000xi1>
    %or3A_131 = arith.ori %lt3A_126, %and3A_130 : vector<1000x1000xi1>
    %jit3A_132 = arith.constant 1.000000e+00 : f32
    %jit3A_133 = arith.constant 0.000000e+00 : f32
    %broadcast_in_dim3A_134 = vector.broadcast %jit3A_132 : f32 to vector<1000x1000xf32>
    %broadcast_in_dim3A_135 = vector.broadcast %jit3A_133 : f32 to vector<1000x1000xf32>
    %select_n3A_136 = arith.select %or3A_131, %broadcast_in_dim3A_134, %broadcast_in_dim3A_135 : vector<1000x1000xi1>, vector<1000x1000xf32>
    %reduce_sum3A_137 = arith.constant dense<0.000000e+00> : vector<1000xf32>
    %reduce_sum3A_138 = vector.multi_reduction <add>, %select_n3A_136, %reduce_sum3A_137 [1] : vector<1000x1000xf32> to vector<1000xf32>
    %broadcast_in_dim3A_139 = vector.shape_cast %reduce_sum3A_138 : vector<1000xf32> to vector<1000x1xf32>
    %iota3A_140 = tpu.iota {dimensions = array<i32: 1>} : vector<1x128xi32>
    %convert_element_type3A_141 = arith.sitofp %iota3A_140 : vector<1x128xi32> to vector<1x128xf32>
    %eq3A_142 = vector.broadcast %broadcast_in_dim3A_139 : vector<1000x1xf32> to vector<1000x128xf32>
    %eq3A_143 = vector.broadcast %convert_element_type3A_141 : vector<1x128xf32> to vector<1000x128xf32>
    %eq3A_144 = arith.cmpf oeq, %eq3A_142, %eq3A_143 : vector<1000x128xf32>
    %get3A_145 = arith.constant 2 : index
    %get3A_146 = arith.constant 0 : index
    %get3A_147 = arith.constant 0 : index
    %get3A_148 = vector.load %arg2[%get3A_145, %get3A_146, %get3A_147] : memref<4x1000x1xf32, #tpu.memory_space<vmem>>, vector<1x1000x1xf32>
    %get3A_149 = vector.shape_cast %get3A_148 : vector<1x1000x1xf32> to vector<1000x1xf32>
    %broadcast_in_dim3A_150 = vector.shape_cast %get3A_149 : vector<1000x1xf32> to vector<1000x1xf32>
    %broadcast_in_dim3A_151 = vector.broadcast %broadcast_in_dim3A_150 : vector<1000x1xf32> to vector<1000x128xf32>
    %jit3A_152 = arith.constant 0.000000e+00 : f32
    %broadcast_in_dim3A_153 = vector.broadcast %jit3A_152 : f32 to vector<1000x128xf32>
    %select_n3A_154 = arith.select %eq3A_144, %broadcast_in_dim3A_151, %broadcast_in_dim3A_153 : vector<1000x128xi1>, vector<1000x128xf32>
    %reduce_sum3A_155 = arith.constant dense<0.000000e+00> : vector<128xf32>
    %reduce_sum3A_156 = vector.multi_reduction <add>, %select_n3A_154, %reduce_sum3A_155 [0] : vector<1000x128xf32> to vector<128xf32>
    %broadcast_in_dim3A_157 = vector.shape_cast %reduce_sum3A_156 : vector<128xf32> to vector<1x128xf32>
    %convert_element_type3A_158 = arith.fptosi %broadcast_in_dim3A_157 : vector<1x128xf32> to vector<1x128xi32>
    %swap3A_159 = arith.constant 2 : index
    %swap3A_160 = arith.constant 0 : index
    %swap3A_161 = arith.constant 0 : index
    %swap3A_162 = vector.load %arg3[%swap3A_159, %swap3A_160, %swap3A_161] : memref<4x1x128xi32, #tpu.memory_space<vmem>>, vector<1x1x128xi32>
    %swap3A_163 = vector.shape_cast %swap3A_162 : vector<1x1x128xi32> to vector<1x128xi32>
    %swap3A_164 = vector.shape_cast %convert_element_type3A_158 : vector<1x128xi32> to vector<1x1x128xi32>
    tpu.vector_store %arg3[%swap3A_159, %swap3A_160, %swap3A_161], %swap3A_164 {strides = array<i32>} : memref<4x1x128xi32, #tpu.memory_space<vmem>>, vector<1x1x128xi32>,
    %get3A_165 = arith.constant 3 : index
    %get3A_166 = arith.constant 0 : index
    %get3A_167 = arith.constant 0 : index
    %get3A_168 = vector.load %arg1[%get3A_165, %get3A_166, %get3A_167] : memref<4x1000x128xf32, #tpu.memory_space<vmem>>, vector<1x1000x128xf32>
    %get3A_169 = vector.shape_cast %get3A_168 : vector<1x1000x128xf32> to vector<1000x128xf32>
    %reduce_sum3A_170 = arith.constant dense<0.000000e+00> : vector<128xf32>
    %reduce_sum3A_171 = vector.multi_reduction <add>, %get3A_169, %reduce_sum3A_170 [0] : vector<1000x128xf32> to vector<128xf32>
    %broadcast_in_dim3A_172 = vector.shape_cast %reduce_sum3A_171 : vector<128xf32> to vector<1x128xf32>
    %div3A_173 = arith.constant 1.000000e+03 : f32
    %div3A_174 = vector.broadcast %div3A_173 : f32 to vector<1x128xf32>
    %div3A_175 = arith.divf %broadcast_in_dim3A_172, %div3A_174 : vector<1x128xf32>
    %dot_general3A_176 = arith.constant dense<0.000000e+00> : vector<1x1000xf32>
    %dot_general3A_177 = tpu.matmul %div3A_175, %get3A_169, %dot_general3A_176 {dimension_numbers = #tpu.dot_dimension_numbers<[1], [1], [0], [0], [0, 0, 1, 0], [], []>, transpose_lhs_hint = false} : vector<1x128xf32>, vector<1000x128xf32>, vector<1x1000xf32> -> vector<1x1000xf32>
    %transpose3A_178 = tpu.transpose %dot_general3A_177, [1, 0] : vector<1x1000xf32> -> vector<1000x1xf32>
    %iota3A_179 = tpu.iota {dimensions = array<i32: 0>} : vector<1000x1xi32>
    %iota3A_180 = tpu.iota {dimensions = array<i32: 1>} : vector<1x1000xi32>
    %lt3A_181 = vector.broadcast %iota3A_180 : vector<1x1000xi32> to vector<1000x1000xi32>
    %lt3A_182 = vector.broadcast %iota3A_179 : vector<1000x1xi32> to vector<1000x1000xi32>
    %lt3A_183 = arith.cmpi slt, %lt3A_181, %lt3A_182 : vector<1000x1000xi32>
    %lt3A_184 = vector.broadcast %dot_general3A_177 : vector<1x1000xf32> to vector<1000x1000xf32>
    %lt3A_185 = vector.broadcast %transpose3A_178 : vector<1000x1xf32> to vector<1000x1000xf32>
    %lt3A_186 = arith.cmpf olt, %lt3A_184, %lt3A_185 : vector<1000x1000xf32>
    %eq3A_187 = vector.broadcast %dot_general3A_177 : vector<1x1000xf32> to vector<1000x1000xf32>
    %eq3A_188 = vector.broadcast %transpose3A_178 : vector<1000x1xf32> to vector<1000x1000xf32>
    %eq3A_189 = arith.cmpf oeq, %eq3A_187, %eq3A_188 : vector<1000x1000xf32>
    %and3A_190 = arith.andi %eq3A_189, %lt3A_183 : vector<1000x1000xi1>
    %or3A_191 = arith.ori %lt3A_186, %and3A_190 : vector<1000x1000xi1>
    %jit3A_192 = arith.constant 1.000000e+00 : f32
    %jit3A_193 = arith.constant 0.000000e+00 : f32
    %broadcast_in_dim3A_194 = vector.broadcast %jit3A_192 : f32 to vector<1000x1000xf32>
    %broadcast_in_dim3A_195 = vector.broadcast %jit3A_193 : f32 to vector<1000x1000xf32>
    %select_n3A_196 = arith.select %or3A_191, %broadcast_in_dim3A_194, %broadcast_in_dim3A_195 : vector<1000x1000xi1>, vector<1000x1000xf32>
    %reduce_sum3A_197 = arith.constant dense<0.000000e+00> : vector<1000xf32>
    %reduce_sum3A_198 = vector.multi_reduction <add>, %select_n3A_196, %reduce_sum3A_197 [1] : vector<1000x1000xf32> to vector<1000xf32>
    %broadcast_in_dim3A_199 = vector.shape_cast %reduce_sum3A_198 : vector<1000xf32> to vector<1000x1xf32>
    %iota3A_200 = tpu.iota {dimensions = array<i32: 1>} : vector<1x128xi32>
    %convert_element_type3A_201 = arith.sitofp %iota3A_200 : vector<1x128xi32> to vector<1x128xf32>
    %eq3A_202 = vector.broadcast %broadcast_in_dim3A_199 : vector<1000x1xf32> to vector<1000x128xf32>
    %eq3A_203 = vector.broadcast %convert_element_type3A_201 : vector<1x128xf32> to vector<1000x128xf32>
    %eq3A_204 = arith.cmpf oeq, %eq3A_202, %eq3A_203 : vector<1000x128xf32>
    %get3A_205 = arith.constant 3 : index
    %get3A_206 = arith.constant 0 : index
    %get3A_207 = arith.constant 0 : index
    %get3A_208 = vector.load %arg2[%get3A_205, %get3A_206, %get3A_207] : memref<4x1000x1xf32, #tpu.memory_space<vmem>>, vector<1x1000x1xf32>
    %get3A_209 = vector.shape_cast %get3A_208 : vector<1x1000x1xf32> to vector<1000x1xf32>
    %broadcast_in_dim3A_210 = vector.shape_cast %get3A_209 : vector<1000x1xf32> to vector<1000x1xf32>
    %broadcast_in_dim3A_211 = vector.broadcast %broadcast_in_dim3A_210 : vector<1000x1xf32> to vector<1000x128xf32>
    %jit3A_212 = arith.constant 0.000000e+00 : f32
    %broadcast_in_dim3A_213 = vector.broadcast %jit3A_212 : f32 to vector<1000x128xf32>
    %select_n3A_214 = arith.select %eq3A_204, %broadcast_in_dim3A_211, %broadcast_in_dim3A_213 : vector<1000x128xi1>, vector<1000x128xf32>
    %reduce_sum3A_215 = arith.constant dense<0.000000e+00> : vector<128xf32>
    %reduce_sum3A_216 = vector.multi_reduction <add>, %select_n3A_214, %reduce_sum3A_215 [0] : vector<1000x128xf32> to vector<128xf32>
    %broadcast_in_dim3A_217 = vector.shape_cast %reduce_sum3A_216 : vector<128xf32> to vector<1x128xf32>
    %convert_element_type3A_218 = arith.fptosi %broadcast_in_dim3A_217 : vector<1x128xf32> to vector<1x128xi32>
    %swap3A_219 = arith.constant 3 : index
    %swap3A_220 = arith.constant 0 : index
    %swap3A_221 = arith.constant 0 : index
    %swap3A_222 = vector.load %arg3[%swap3A_219, %swap3A_220, %swap3A_221] : memref<4x1x128xi32, #tpu.memory_space<vmem>>, vector<1x1x128xi32>
    %swap3A_223 = vector.shape_cast %swap3A_222 : vector<1x1x128xi32> to vector<1x128xi32>
    %swap3A_224 = vector.shape_cast %convert_element_type3A_218 : vector<1x128xi32> to vector<1x1x128xi32>
    tpu.vector_store %arg3[%swap3A_219, %swap3A_220, %swap3A_221], %swap3A_224 {strides = array<i32>} : memref<4x1x128xi32, #tpu.memory_space<vmem>>, vector<1x1x128xi32>,
    return
  }
  func.func @transform_0(%arg0: i32) -> (i32, i32, i32) {
    %c0_i32 = arith.constant 0 : i32
    %c0_i32_0 = arith.constant 0 : i32
    %c0_i32_1 = arith.constant 0 : i32
    return %arg0, %c0_i32, %c0_i32_0 : i32, i32, i32
  }
  func.func @transform_1(%arg0: i32) -> (i32, i32, i32) {
    %c0_i32 = arith.constant 0 : i32
    %c0_i32_0 = arith.constant 0 : i32
    %c0_i32_1 = arith.constant 0 : i32
    return %arg0, %c0_i32, %c0_i32_0 : i32, i32, i32
  }
  func.func @transform_2(%arg0: i32) -> (i32, i32, i32) {
    %c0_i32 = arith.constant 0 : i32
    %c0_i32_0 = arith.constant 0 : i32
    %c0_i32_1 = arith.constant 0 : i32
    return %arg0, %c0_i32, %c0_i32_0 : i32, i32, i32
  }
}

</mosaic_0001>

<sc_bundles>
// kernel: kernel.4.cloned.1.call-start
scs
__scs_entry_jumppad:
0x0: {  	(pc) =	sbr.rel $0x88, $3  }
0x1: {  	(tag) =	ssettag $0x0;
	lr =	simm.s32 $0x1  }
0x2: {  	[smem:$0x3F9F] =	sst lr;
	_ =	strace $0xD0000000  }
0x3: {  	_ = 	snop  }
0x4: {  	_ = 	snop  }
0x5: {  	_ = 	snop  }
0x6: {  	_ = 	snop  }
0x7: {  	_ = 	snop  }
__scs_overlays_trampoline_lowered:
0x8: {  	[smem:$0x3FAE] =	sst s0  }
0x9: {  	[smem:$0x3FAF] =	sst s1  }
0xa: {  	[smem:$0x3FB0] =	sst s2  }
0xb: {  	[smem:$0x3FB1] =	sst s3  }
0xc: {  	[smem:$0x3FB2] =	sst s4  }
0xd: {  	[smem:$0x3FB3] =	sst s5  }
0xe: {  	[smem:$0x3FB4] =	sst s6  }
0xf: {  	[smem:$0x3FB5] =	sst s7  }
0x10: {  	[smem:$0x3FB6] =	sst s8  }
0x11: {  	[smem:$0x3FB7] =	sst s9;
	s0 =	simm.s32 @!p0 $0x0  }
0x12: {  	s1 =	sld [smem:$0x3F9D];
	s0 =	simm.s32 @p0 $0x1  }
0x13: {  	[smem:$0x3FB8] =	sst s0;
	s0 =	simm.s32 @!p1 $0x0  }
0x14: {  	s2 =	sld [smem:$0x3F9C];
	s0 =	simm.s32 @p1 $0x1  }
0x15: {  	[smem:$0x3FB9] =	sst s0;
	s0 =	simm.s32 @!p2 $0x0  }
0x16: {  	s3 =	sld [smem:$0x3FDB];
	s0 =	simm.s32 @p2 $0x1  }
0x17: {  	s4 =	simm.s32 $0x1BF5;
	[smem:$0x3FBB] =	sst s0  }
0x18: {  	s0 =	sld [smem:$0x3F9E];
	_ =	swait.ge [sflag:s4], $0x0  }
0x19: {  	s7 =	sld [smem:$0x3F9F]  }
0x1a: {  	s8 =	sadd.s32 $0xFFFFE003, lr  }
0x1b: {  	s9 =	sadd.s32 $0xFFFFFEF7, lr;
	s5 =	simm.s32 $0xFFFFFFFF;
	p2 =	slt.u32 s8, $0xFFFFF086  }
0x1c: {  	p1 =	slt.u32 s9, $0xF7A;
	s5 =	simm.s32 @!p2 $0x0  }
0x1d: {  	s5 =	simm.s32 @p1 $0x1;
	p0 =	seq.s32 s7, s2  }
0x1e: {  	s7 =	smul.u32 @!p0 $0xF7A, s2;
	p2 =	seq.s32 @!p0 s5, $0x0  }
0x1f: {  	s9 =	smul.u32 $0xF7A, s1;
	s8 =	simm.s32 @!p0 $0x1BF5;
	p2 =	por !p2, p0  }
0x20: {  	[sflag:s8] =	ssyncset.s32 @!p0 $0xFFFFF086;
	s6 =	sadd.s32 @!p0 s3, s7;
	s7 =	simm.s32 @!p0 $0x108  }
0x21: {  	s3 =	sadd.s32 s3, s9;
	s6 =	sadd.s32 @!p0 $0x88, s6;
	s7 =	simm.s32 @p2 $0x1082  }
0x22: {  	[simem:s7], [sflag:s8] =	dma.local @!p0 [hbm:s6], $0xF7A  }
0x23: {  	s9 =	sor.u32 $0xD0000000, s2;
	s6 =	simm.s32 $0x108;
	_ =	swait.ge @!p0 [sflag:s8], $0x0  }
0x24: {  	s3 =	sadd.s32 $0x88, s3;
	s6 =	simm.s32 @!p1 $0x1082;
	[sflag:s4] =	ssyncset.s32 $0xFFFFF086  }
0x25: {  	[simem:s6], [sflag:s4] =	dma.local [hbm:s3], $0xF7A  }
0x26: {  	[smem:$0x3F9F] =	sst s1;
	(tag) =	ssettag s2;
	_ =	strace s9  }
0x27: {  	s1 =	sld [smem:$0x3FAF]  }
0x28: {  	s2 =	sld [smem:$0x3FB0]  }
0x29: {  	s4 =	sld [smem:$0x3FB2]  }
0x2a: {  	p0 =	seq.s32 s5, $0x0;
	s5 =	sld [smem:$0x3FB3]  }
0x2b: {  	s6 =	sld [smem:$0x3FB4]  }
0x2c: {  	s7 =	sld [smem:$0x3FB5]  }
0x2d: {  	s3 =	simm.s32 $0x108;
	s8 =	sld [smem:$0x3FB6]  }
0x2e: {  	s3 =	simm.s32 @!p0 $0x1082;
	s9 =	sld [smem:$0x3FB7]  }
0x2f: {  	lr =	sadd.s32 s0, s3;
	s0 =	sld [smem:$0x3FAE]  }
0x30: {  	s3 =	sld [smem:$0x3FB1]  }
0x31: {  	[smem:$0x3FBA] =	sst s10  }
0x32: {  	s10 =	sld [smem:$0x3FB8];
	_ =	sdelay $0x3  }
0x33: {  	p0 =	seq.s32 s10, $0x1;
	s10 =	sld [smem:$0x3FBA];
	_ =	sdelay $0x3  }
0x34: {  	[smem:$0x3FBA] =	sst s10  }
0x35: {  	s10 =	sld [smem:$0x3FB9];
	_ =	sdelay $0x3  }
0x36: {  	p1 =	seq.s32 s10, $0x1;
	s10 =	sld [smem:$0x3FBA];
	_ =	sdelay $0x3  }
0x37: {  	[smem:$0x3FBA] =	sst s10  }
0x38: {  	s10 =	sld [smem:$0x3FBB]  }
0x39: {  	_ = 	snop;
	(pc) =	sbr.ind lr, $3  }
0x3a: {  	_ = 	snop  }
0x3b: {  	_ = 	snop  }
0x3c: {  	p2 =	seq.s32 s10, $0x1;
	s10 =	sld [smem:$0x3FBA]  }
0x3d: {  	_ =	shalt  }
0x3e: {  	_ =	shalt  }
0x3f: {  	_ =	shalt  }
0x40: {  	_ =	shalt  }
0x41: {  	_ =	shalt  }
0x42: {  	_ =	shalt  }
0x43: {  	_ =	shalt  }
0x44: {  	_ =	shalt  }
0x45: {  	_ =	shalt  }
0x46: {  	_ =	shalt  }
0x47: {  	_ =	shalt  }
0x48: {  	_ =	shalt  }
0x49: {  	_ =	shalt  }
0x4a: {  	_ =	shalt  }
0x4b: {  	_ =	shalt  }
0x4c: {  	_ =	shalt  }
0x4d: {  	_ =	shalt  }
0x4e: {  	_ =	shalt  }
0x4f: {  	_ =	shalt  }
0x50: {  	_ =	shalt  }
0x51: {  	_ =	shalt  }
0x52: {  	_ =	shalt  }
0x53: {  	_ =	shalt  }
0x54: {  	_ =	shalt  }
0x55: {  	_ =	shalt  }
0x56: {  	_ =	shalt  }
0x57: {  	_ =	shalt  }
0x58: {  	_ =	shalt  }
0x59: {  	_ =	shalt  }
0x5a: {  	_ =	shalt  }
0x5b: {  	_ =	shalt  }
0x5c: {  	_ =	shalt  }
0x5d: {  	_ =	shalt  }
0x5e: {  	_ =	shalt  }
0x5f: {  	_ =	shalt  }
0x60: {  	_ =	shalt  }
0x61: {  	_ =	shalt  }
0x62: {  	_ =	shalt  }
0x63: {  	_ =	shalt  }
0x64: {  	_ =	shalt  }
0x65: {  	_ =	shalt  }
0x66: {  	_ =	shalt  }
0x67: {  	_ =	shalt  }
0x68: {  	_ =	shalt  }
0x69: {  	_ =	shalt  }
0x6a: {  	_ =	shalt  }
0x6b: {  	_ =	shalt  }
0x6c: {  	_ =	shalt  }
0x6d: {  	_ =	shalt  }
0x6e: {  	_ =	shalt  }
0x6f: {  	_ =	shalt  }
0x70: {  	_ =	shalt  }
0x71: {  	_ =	shalt  }
0x72: {  	_ =	shalt  }
0x73: {  	_ =	shalt  }
0x74: {  	_ =	shalt  }
0x75: {  	_ =	shalt  }
0x76: {  	_ =	shalt  }
0x77: {  	_ =	shalt  }
0x78: {  	_ =	shalt  }
0x79: {  	_ =	shalt  }
0x7a: {  	_ =	shalt  }
0x7b: {  	_ =	shalt  }
0x7c: {  	_ =	shalt  }
0x7d: {  	_ =	shalt  }
0x7e: {  	_ =	shalt  }
0x7f: {  	_ =	shalt  }
0x80: {  	_ =	shalt  }
0x81: {  	_ =	shalt  }
0x82: {  	_ =	shalt  }
0x83: {  	_ =	shalt  }
0x84: {  	_ =	shalt  }
0x85: {  	_ =	shalt  }
0x86: {  	_ =	shalt  }
0x87: {  	_ =	shalt  }
.Lfunc_end0:
.L_simem_size_0:
called_computation_lowered:
.L_overlay_start_0:
0x88: {  	s2 =	sld [smem:$0x3FD9]  }
0x89: {  	s3 =	sld [smem:$0x3FFE];
	_ =	sdelay $0x1  }
0x8a: {  	s1 =	srdreg.scid  }
0x8b: {  	s0 =	sand.u32 $0x1, s1  }
0x8c: {  	s17 =	sshll.u32 s0, $0xA;
	s2 =	sadd.s32 s3, s2  }
0x8d: {  	s2 =	sadd.s32 s2, s17  }
0x8e: {  	[smem:$0x3FC6] =	sst s2  }
0x8f: {  	_ = 	snop  }
0x90: {  	s2 =	sld [smem:$0x3FC8];
	(tm) =	ssettm $0x1  }
0x91: {  	s18 =	sld [smem:$0x3FFB];
	_ =	sdelay $0x3  }
0x92: {  	_ =	strace s18  }
0x93: {  	s3 =	sld [smem:$0x3FFC];
	_ =	sdelay $0x3  }
0x94: {  	_ =	strace s3  }
0x95: {  	s3 =	sld [smem:$0x3FFD];
	_ =	sdelay $0x3  }
0x96: {  	_ =	strace s3  }
0x97: {  	_ =	strace $0x8FFFFFFF  }
0x98: {  	s19 =	sld [smem:$0x3FDB];
	_ =	sdelay $0x1  }
0x99: {  	s4 =	simm.s32 $_scs_section_size  }
0x9a: {  	s5 =	simm.s32 $_size__tile_overlayer_lowered;
	s6 =	simm.s32 $_tile_overlayer_lowered  }
0x9b: {  	s22 =	simm.s32 $0x1BFF;
	s21 =	sshll.u32 s6, $0x1;
	s3 =	sadd.s32 s4, s19  }
0x9c: {  	s7 =	simm.s32 $0x0;
	s20 =	sshll.u32 s5, $0x1;
	s5 =	sadd.s32 s21, s3  }
0x9d: {  	[timem:s7], [sflag:s22] =	dma.local [hbm:s5], s20  }
0x9e: {  	_ =	swait.ge [sflag:s22], s20  }
0x9f: {  	s4 =	ssub.s32 $0x0, s20;
	[sflag:s22] =	ssyncset.done $0x0  }
0xa0: {  	[sflag:s22] =	ssyncadd.s32 s4;
	_ =	sdelay $0x1  }
0xa1: {  	s23 =	simm.s32 $0x1B8B  }
0xa2: {  	_ =	swait.ge [sflag:s23], $0x1  }
0xa3: {  	[sflag:s23] =	ssyncset.done $0x0  }
0xa4: {  	s25 =	simm.s32 $0x1B8E;
	s24 =	sld [smem:$0x3FFE];
	[sflag:s23] =	ssyncadd.s32 $0xFFFFFFFF  }
0xa5: {  	s26 =	simm.s32 $execute0_lowered;
	[smem:$0x3FD2] =	sst s25  }
0xa6: {  	s5 =	sshll.u32 s26, $0x1;
	_ =	strace $0x80000046;
	[dreg:$0x1] =	wrdreg $0xFFFFFFFF  }
0xa7: {  	s28 =	simm.s32 $_size_execute0_lowered;
	s3 =	sadd.s32 s3, s5;
	[dreg:$0x0] =	wrdreg $0x0  }
0xa8: {  	s5 =	sshll.u32 s28, $0x1;
	[dreg:$0x2] =	wrdreg s3  }
0xa9: {  	[dreg:$0x3] =	wrdreg s5  }
0xaa: {  	[dreg:$0x4] =	wrdreg $0xC0  }
0xab: {  	_ =	task [dreg:s7], $0x5FFFF  }
0xac: {  	[dreg:$0x1] =	wrdreg $0xFFFFFFFF  }
0xad: {  	[dreg:$0x0] =	wrdreg $0x60  }
0xae: {  	[dreg:$0x2] =	wrdreg s24  }
0xaf: {  	[dreg:$0x3] =	wrdreg s2  }
0xb0: {  	[dreg:$0x4] =	wrdreg $0x9  }
0xb1: {  	_ =	task.clear_ibuf [dreg:s7], $0x5FFFF;
	_ =	strace $0x90000046  }
0xb2: {  	s29 =	simm.s32 $0x9;
	_ =	strace $0x80000048  }
0xb3: {  	_ =	swait.ge [sflag:s29], $0x1  }
0xb4: {  	[sflag:s29] =	ssyncadd.s32 $0xFFFFFFFF  }
0xb5: {  	_ =	strace $0x90000048  }
0xb6: {  	_ =	sfence  }
0xb7: {  	s30 =	sld [smem:$0x0];
	_ =	sdelay $0x2  }
0xb8: {  	s31 =	sshll.u32 s1, $0xD;
	s1 =	sshrl.u32 s1, $0x2  }
0xb9: {  	s3 =	sand.u32 $0x4000, s31;
	s1 =	sadd.s32 s1, s30  }
0xba: {  	s0 =	sor.u32 s3, s0;
	s1 =	sshll.u32 s1, $0x11  }
0xbb: {  	s0 =	sor.u32 s1, s0  }
0xbc: {  	s0 =	sadd.s32 $0x8F2B, s0  }
0xbd: {  	[sflag:s0] =	ssyncadd.remote.s32 $0x1  }
0xbe: {  	_ =	sfence.sel $0xFFFF  }
0xbf: {  	[dreg:$0x0] =	wrdreg $0xFFFFFFFF;
	(pc) =	sbr.abs _section_cstart, $3  }
0xc0: {  	[dreg:$0x1] =	wrdreg $0xFFFFFFFF  }
0xc1: {  	_ =	task.clear_ibuf [dreg:s7], $0x2FFFF;
	_ =	strace $0x9FFFFFFF  }
0xc2: {  	(tm) =	ssettm $0x7FFFFFFF  }
0xc3: {  	_ =	shalt  }
tec
execute0_lowered:
.L_overlay_start_1:
0x0: {  	(tag) =	ssettag $0x1  }
0x1: {  	s4 =	rddreg [dreg:$0x0]  }
0x2: {  	s2 =	rddreg [dreg:$0x1]  }
0x3: {  	s0 =	rddreg [dreg:$0x2];
	s3 =	simm.s32 $0x0;
	s1 =	stileid.u32  }
0x4: {  	s5 =	srdreg.scid;
	s11 =	simm.s32 $0x80;
	s12 =	simm.s32 $0x3A00  }
0x5: {  	s13 =	simm.s32 $0x1;
	s14 =	simm.s32 $0x100;
	s15 =	simm.s32 $0x6C00  }
0x6: {  	s16 =	simm.s32 $0x180;
	s17 =	simm.s32 $0x9E00;
	s18 =	simm.s32 $0x2  }
0x7: {  	s19 =	simm.s32 $0x200;
	s20 =	simm.s32 $0x280;
	s21 =	simm.s32 $0x3  }
0x8: {  	s22 =	simm.s32 $0x300;
	s23 =	simm.s32 $0x380;
	s24 =	simm.s32 $0x400  }
0x9: {  	s25 =	simm.s32 $0x480;
	s26 =	simm.s32 $0x0;
	[smem:$0x7FF] =	sst s3  }
0xa: {  	s6 =	sshll.u32 s1, $0x9;
	s7 =	smul.u32 $0x7D00, s1;
	s5 =	sand.u32 $0x1, s5  }
0xb: {  	_ =	strace $0x80000047;
	s6 =	sadd.s32 s6, s4;
	s9 =	smul.u32 $0x3E80, s5  }
.Ltmp0:
0xc: {  	s8 =	ssub.s32 $0x2, s5;
	s10 =	sshll.u32 s5, $0x8;
	(pc) =	sbr.rel .LBB2_1-.Ltmp0, $4  }
0xd: {  	s7 =	sadd.s32 s7, s4;
	s31 =	sshrl.u32 s8, $0x1;
	s4 =	sshll.u32 s1, $0x1  }
0xe: {  	s6 =	sadd.s32 s10, s6;
	s10 =	simm.s32 $0x800;
	s8 =	ssub.s32 s8, s31  }
0xf: {  	s7 =	sadd.s32 s9, s7;
	s6 =	sadd.s32 $0x200, s6;
	s9 =	simm.s32 $0x64  }
0x10: {  	s5 =	smax.u32 s8, $0x1;
	s7 =	sadd.s32 $0x6600, s7;
	s8 =	simm.s32 $0x4  }
.LBB2_5:
0x11: {  	s26 =	sadd.s32 $0x1, s26  }
0x12: {  	p0 =	sne.s32 s26, s5  }
.Ltmp1:
0x13: {  	_ = 	snop;
	(pc) =	sbr.rel @!p0 .LBB2_6-.Ltmp1, $1  }
0x14: {  	_ =	sdelay $0x3  }
.LBB2_1:
.Ltmp2:
0x15: {  	(pc) =	sbr.rel .LBB2_2-.Ltmp2, $2  }
0x16: {  	_ =	sdelay $0x2  }
0x17: {  	s28 =	smov.u32 s7;
	s29 =	smov.u32 s6;
	s30 =	simm.s32 $0x0  }
.LBB2_4:
0x18: {  	s30 =	sadd.s32 $0x20, s30  }
0x19: {  	p0 =	sne.s32 s30, $0x80  }
.Ltmp3:
0x1a: {  	_ = 	snop;
	(pc) =	sbr.rel @!p0 .LBB2_5-.Ltmp3, $2  }
0x1b: {  	_ =	sdelay $0x2  }
0x1c: {  	s29 =	sadd.s32 $0x2000, s29;
	s28 =	sadd.s32 $0x7D000, s28  }
.LBB2_2:
0x1d: {  	s31 =	sadd.s32 s30, s4  }
0x1e: {  	p0 =	sgt.u32 s31, $0x63  }
.Ltmp4:
0x1f: {  	_ = 	snop;
	(pc) =	sbr.rel @p0 .LBB2_4-.Ltmp4, $1  }
0x20: {  	_ =	sdelay $0x3  }
0x21: {  	[tilespmem:s3], [sflag:$0x4] =	stream.linear.gather [hbm4b:s29+s3], $0x500, $0x38;
	[tilespmem:$0xD000] =	vst v63  }
0x22: {  	_ =	swait.ge [sflag:s8], $0x500  }
0x23: {  	[sflag:s8] =	ssyncset.done $0x0  }
0x24: {  	[sflag:s8] =	ssyncadd.s32 $0xFFFFFB00  }
0x25: {  	[tilespmem:s10], [sflag:$0x1] =	stream.indirect.gather [hbm4b:s2+s9], $0x80, s3, s9, $0xb8;
	[tilespmem:$0xD000] =	vst v63  }
0x26: {  	_ = 	snop  }
0x27: {  	[tilespmem:s12], [sflag:$0x1] =	stream.indirect.gather [hbm4b:s2+s9], $0x80, s11, s9, $0xb8;
	[tilespmem:$0xD000] =	vst v63  }
0x28: {  	_ =	swait.ge [sflag:s13], $0x3200  }
0x29: {  	[sflag:s13] =	ssyncset.done $0x0  }
0x2a: {  	[sflag:s13] =	ssyncadd.s32 $0xFFFFCE00  }
0x2b: {  	_ =	swait.ge [sflag:s13], $0x3200  }
0x2c: {  	[sflag:s13] =	ssyncset.done $0x0  }
0x2d: {  	[sflag:s13] =	ssyncadd.s32 $0xFFFFCE00  }
0x2e: {  	[hbm4b:s28+s3] =	stream.linear.scatter [tilespmem:s10], [sflag:$0x2], $0x6400, $0x38;
	[tilespmem:$0xD000] =	vst v63  }
0x2f: {  	_ = 	snop  }
0x30: {  	[tilespmem:s15], [sflag:$0x1] =	stream.indirect.gather [hbm4b:s2+s9], $0x80, s14, s9, $0xb8;
	[tilespmem:$0xD000] =	vst v63  }
0x31: {  	_ = 	snop  }
0x32: {  	[tilespmem:s17], [sflag:$0x1] =	stream.indirect.gather [hbm4b:s2+s9], $0x80, s16, s9, $0xb8;
	[tilespmem:$0xD000] =	vst v63  }
0x33: {  	_ =	swait.ge [sflag:s13], $0x3200  }
0x34: {  	[sflag:s13] =	ssyncset.done $0x0  }
0x35: {  	[sflag:s13] =	ssyncadd.s32 $0xFFFFCE00  }
0x36: {  	_ =	swait.ge [sflag:s13], $0x3200  }
0x37: {  	[sflag:s13] =	ssyncset.done $0x0  }
0x38: {  	s31 =	sadd.s32 $0xC80, s28;
	[sflag:s13] =	ssyncadd.s32 $0xFFFFCE00  }
0x39: {  	[hbm4b:s31+s3] =	stream.linear.scatter [tilespmem:s15], [sflag:$0x3], $0x6400, $0x38;
	[tilespmem:$0xD000] =	vst v63  }
0x3a: {  	_ =	swait.ge [sflag:s18], $0x6400  }
0x3b: {  	[sflag:s18] =	ssyncset.done $0x0  }
0x3c: {  	[sflag:s18] =	ssyncadd.s32 $0xFFFF9C00  }
0x3d: {  	[tilespmem:s10], [sflag:$0x1] =	stream.indirect.gather [hbm4b:s2+s9], $0x80, s19, s9, $0xb8;
	[tilespmem:$0xD000] =	vst v63  }
0x3e: {  	_ = 	snop  }
0x3f: {  	[tilespmem:s12], [sflag:$0x1] =	stream.indirect.gather [hbm4b:s2+s9], $0x80, s20, s9, $0xb8;
	[tilespmem:$0xD000] =	vst v63  }
0x40: {  	_ =	swait.ge [sflag:s13], $0x3200  }
0x41: {  	[sflag:s13] =	ssyncset.done $0x0  }
0x42: {  	[sflag:s13] =	ssyncadd.s32 $0xFFFFCE00  }
0x43: {  	_ =	swait.ge [sflag:s13], $0x3200  }
0x44: {  	[sflag:s13] =	ssyncset.done $0x0  }
0x45: {  	s31 =	sadd.s32 $0x1900, s28;
	[sflag:s13] =	ssyncadd.s32 $0xFFFFCE00  }
0x46: {  	[hbm4b:s31+s3] =	stream.linear.scatter [tilespmem:s10], [sflag:$0x2], $0x6400, $0x38;
	[tilespmem:$0xD000] =	vst v63  }
0x47: {  	_ =	swait.ge [sflag:s21], $0x6400  }
0x48: {  	[sflag:s21] =	ssyncset.done $0x0  }
0x49: {  	[sflag:s21] =	ssyncadd.s32 $0xFFFF9C00  }
0x4a: {  	[tilespmem:s15], [sflag:$0x1] =	stream.indirect.gather [hbm4b:s2+s9], $0x80, s22, s9, $0xb8;
	[tilespmem:$0xD000] =	vst v63  }
0x4b: {  	_ = 	snop  }
0x4c: {  	[tilespmem:s17], [sflag:$0x1] =	stream.indirect.gather [hbm4b:s2+s9], $0x80, s23, s9, $0xb8;
	[tilespmem:$0xD000] =	vst v63  }
0x4d: {  	_ =	swait.ge [sflag:s13], $0x3200  }
0x4e: {  	[sflag:s13] =	ssyncset.done $0x0  }
0x4f: {  	[sflag:s13] =	ssyncadd.s32 $0xFFFFCE00  }
0x50: {  	_ =	swait.ge [sflag:s13], $0x3200  }
0x51: {  	[sflag:s13] =	ssyncset.done $0x0  }
0x52: {  	s31 =	sadd.s32 $0x2580, s28;
	[sflag:s13] =	ssyncadd.s32 $0xFFFFCE00  }
0x53: {  	[hbm4b:s31+s3] =	stream.linear.scatter [tilespmem:s15], [sflag:$0x3], $0x6400, $0x38;
	[tilespmem:$0xD000] =	vst v63  }
0x54: {  	_ =	swait.ge [sflag:s18], $0x6400  }
0x55: {  	[sflag:s18] =	ssyncset.done $0x0  }
0x56: {  	[sflag:s18] =	ssyncadd.s32 $0xFFFF9C00  }
0x57: {  	[tilespmem:s10], [sflag:$0x1] =	stream.indirect.gather [hbm4b:s2+s9], $0x80, s24, s9, $0xb8;
	[tilespmem:$0xD000] =	vst v63  }
0x58: {  	_ = 	snop  }
0x59: {  	[tilespmem:s12], [sflag:$0x1] =	stream.indirect.gather [hbm4b:s2+s9], $0x80, s25, s9, $0xb8;
	[tilespmem:$0xD000] =	vst v63  }
0x5a: {  	_ =	swait.ge [sflag:s13], $0x3200  }
0x5b: {  	[sflag:s13] =	ssyncset.done $0x0  }
0x5c: {  	[sflag:s13] =	ssyncadd.s32 $0xFFFFCE00  }
0x5d: {  	_ =	swait.ge [sflag:s13], $0x3200  }
0x5e: {  	[sflag:s13] =	ssyncset.done $0x0  }
0x5f: {  	s31 =	sadd.s32 $0x3200, s28;
	[sflag:s13] =	ssyncadd.s32 $0xFFFFCE00  }
0x60: {  	[hbm4b:s31+s3] =	stream.linear.scatter [tilespmem:s10], [sflag:$0x2], $0x6400, $0x38;
	[tilespmem:$0xD000] =	vst v63  }
0x61: {  	_ =	swait.ge [sflag:s21], $0x6400  }
.Ltmp5:
0x62: {  	[sflag:s21] =	ssyncset.done $0x0;
	(pc) =	sbr.rel .LBB2_4-.Ltmp5, $4  }
0x63: {  	[sflag:s21] =	ssyncadd.s32 $0xFFFF9C00  }
0x64: {  	_ =	swait.ge [sflag:s18], $0x6400  }
0x65: {  	[sflag:s18] =	ssyncset.done $0x0  }
0x66: {  	[sflag:s18] =	ssyncadd.s32 $0xFFFF9C00  }
.LBB2_6:
0x67: {  	_ =	sfence.sel $0x180000  }
0x68: {  	[bflag:$0x0] =	sbarrier.arrive $0xFFFF  }
0x69: {  	p0 =	sne.s32 s1, $0x0;
	_ =	strace $0x90000047  }
0x6a: {  	s0 =	sadd.s32 @!p0 $0x100000, s0;
	[bflag:$0x2] =	sbarrier.arrive $0xFFFF  }
0x6b: {  	[sflag:s0] =	ssyncadd.tile.s32 @!p0 $0x1;
	_ =	shalt  }
.Lfunc_end2:
_tile_overlayer_lowered:
.L_overlay_start_2:
0x6c: {  	(tag) =	ssettag $0x2  }
0x6d: {  	s0 =	rddreg [dreg:$0x0];
	s2 =	stileid.u32  }
0x6e: {  	s1 =	rddreg [dreg:$0x1];
	p0 =	sne.s32 s2, $0x0  }
0x6f: {  	s3 =	rddreg [dreg:$0x2];
	[bflag:$0x3] =	sbarrier.arrive $0xFFFF;
	s2 =	simm.s32 @!p0 $0x1C04  }
0x70: {  	[timem:s3], [sflag:s2] =	dma.local @!p0 [hbm:s0], s1  }
0x71: {  	s0 =	simm.s32 @!p0 $0x4  }
0x72: {  	_ =	swait.ge @!p0 [sflag:s0], s1  }
0x73: {  	s1 =	ssub.s32 @!p0 $0x0, s1;
	[sflag:s0] =	ssyncset.done @!p0 $0x0  }
0x74: {  	[sflag:s0] =	ssyncadd.s32 @!p0 s1  }
0x75: {  	[bflag:$0x3] =	sbarrier.arrive $0xFFFF  }
0x76: {  	_ =	shalt  }

</sc_bundles>
